<compile_context>
chip_gen: v7x
topology: tpu7x:2x2x1
jax: 0.10.2.dev20260603
libtpu: 0.0.44.dev20260713+nightly
codegen_flags: <defaults>
</compile_context>

<pallas_src>
import functools

import jax
import jax.numpy as jnp
from jax import lax
from jax.experimental import pallas as pl
from jax.experimental.pallas import tpu as pltpu
from jax.experimental.pallas import tpu_sc as plsc

D = 32
G = 128
K = 10


@functools.lru_cache(maxsize=None)
def _build(num_groups_total: int, vocab: int):
    info = plsc.get_sparse_core_info()
    nc, ns = info.num_cores, info.num_subcores
    nw = nc * ns
    groups_per_w = num_groups_total // nw
    n_outer = groups_per_w // K
    n_pairs = n_outer // 2

    mesh = plsc.VectorSubcoreMesh(core_axis_name="c", subcore_axis_name="s")

    @functools.partial(
        pl.kernel,
        mesh=mesh,
        out_type=jax.ShapeDtypeStruct((num_groups_total, G, D), jnp.float32),
        scratch_types=[
            pltpu.VMEM((groups_per_w, G), jnp.int32),
            pltpu.VMEM((2, K, G, D), jnp.float32),
            pltpu.SemaphoreType.DMA,
            pltpu.SemaphoreType.DMA,
            pltpu.SemaphoreType.DMA,
        ],
        compiler_params=pltpu.CompilerParams(use_tc_tiling_on_sc=False),
    )
    def gather_kernel(idx_hbm, table_hbm, out_hbm, idx_all, rows_v, semg0,
                      semg1, semo):
        wid = lax.axis_index("s") * nc + lax.axis_index("c")
        base = wid * groups_per_w
        pltpu.sync_copy(idx_hbm.at[pl.ds(base, groups_per_w)], idx_all)

        def fire(bi, buf, sem):
            for j in range(K):
                pltpu.async_copy(
                    table_hbm.at[idx_all.at[bi * K + j]], rows_v.at[buf, j], sem
                )

        def drain_gathers(buf, sem):
            for j in range(K):
                pltpu.make_async_copy(
                    table_hbm.at[idx_all.at[j]], rows_v.at[buf, j], sem
                ).wait()

        def store(bi, buf):
            pltpu.async_copy(
                rows_v.at[buf], out_hbm.at[pl.ds(base + bi * K, K)], semo
            )

        def drain_store(buf):
            pltpu.make_async_copy(
                rows_v.at[buf], out_hbm.at[pl.ds(base, K)], semo
            ).wait()

        fire(0, 0, semg0)

        def pair(p, carry):
            b0 = 2 * p

            @pl.when(p > 0)
            def _():
                drain_store(1)

            fire(b0 + 1, 1, semg1)
            drain_gathers(0, semg0)
            store(b0, 0)
            drain_store(0)

            @pl.when(p < n_pairs - 1)
            def _():
                fire(b0 + 2, 0, semg0)

            drain_gathers(1, semg1)
            store(b0 + 1, 1)
            return carry

        lax.fori_loop(0, n_pairs, pair, 0)
        drain_store(1)

    return gather_kernel


def kernel(token_ids, weight):
    lead_shape = token_ids.shape
    idx = token_ids.reshape(-1).astype(jnp.int32)
    num_groups = idx.shape[0] // G
    idx2 = idx.reshape(num_groups, G)
    fn = _build(num_groups, weight.shape[0])
    out = fn(idx2, weight)
    return out.reshape(*lead_shape, D)

# --- scband reference (transcript-rebuilt; emitter-appended) ---
"""Pipeline reference for scband-embedding-72267119723067 (READ-ONLY COPY).

The authoritative reference and input builder live on the scoring server;
editing this copy changes nothing except your own understanding.
"""

import jax, jax.numpy as jnp
import numpy as np

NUM_EMBEDDINGS = 1000000
EMBEDDING_DIM = 32

def setup_inputs(seed: int = 0) -> dict:
    key = jax.random.key(seed)
    k1, k2 = jax.random.split(key)
    token_ids = jax.random.randint(k1, (16384, 50), 0, NUM_EMBEDDINGS, dtype=jnp.int64 if jax.config.jax_enable_x64 else jnp.int32)
    # trunc_normal init, mean=0, std=1, a=-3, b=3
    weight = jax.random.truncated_normal(k2, -3.0, 3.0, (NUM_EMBEDDINGS, EMBEDDING_DIM), dtype=jnp.float32)
    return {"token_ids": token_ids, "weight": weight}

def reference(token_ids, weight):
    # Embedding lookup: weight[token_ids]
    return jnp.take(weight, token_ids, axis=0)

if __name__ == "__main__":
    import jax
    _d = setup_inputs()
    print(jax.jit(kernel)(*tuple(_d.values())))

</pallas_src>

<mosaic_0001>
#map = affine_map<(d0, d1) -> (0, 0)>
#map1 = affine_map<(d0, d1) -> (0, 0, 0)>
module attributes {stable_mosaic.version = 14 : i64} {
  func.func @gather_kernel(%arg0: i32, %arg1: i32, %arg2: memref<6400x128xi32, #tpu.memory_space<hbm>>, %arg3: memref<1000000x32xf32, #tpu.memory_space<hbm>>, %arg4: memref<6400x128x32xf32, #tpu.memory_space<hbm>>, %arg5: memref<200x128xi32, #tpu.memory_space<vmem>>, %arg6: memref<2x10x128x32xf32, #tpu.memory_space<vmem>>, %arg7: memref<!tpu.dma_semaphore, #tpu.memory_space<semaphore_mem>>, %arg8: memref<!tpu.dma_semaphore, #tpu.memory_space<semaphore_mem>>, %arg9: memref<!tpu.dma_semaphore, #tpu.memory_space<semaphore_mem>>) attributes {dimension_semantics = [#tpu.dimension_semantics<core_parallel>, #tpu.dimension_semantics<subcore_parallel>], iteration_bounds = array<i64: 2, 16>, scalar_prefetch = 0 : i64, scratch_operands = 5 : i64, tpu.core_type = #tpu.core_type<sc_vector_subcore>, window_params = [{transform_indices = #map}, {transform_indices = #map}, {transform_indices = #map1}]} {
    %mul3A = arith.constant 2 : i32
    %mul3A_0 = arith.muli %arg1, %mul3A : i32
    %add3A = arith.addi %mul3A_0, %arg0 : i32
    %mul3A_1 = arith.constant 200 : i32
    %mul3A_2 = arith.muli %add3A, %mul3A_1 : i32
    "tpu.region"() ({
      %run_scoped3A = tpu.sem_alloc : memref<!tpu.dma_semaphore, #tpu.memory_space<semaphore_mem>>
      %dma_start3A_153 = arith.constant 0 : i32
      %dma_start3A_154 = tpu.memref_slice %arg2[%mul3A_2, %dma_start3A_153] : memref<6400x128xi32, #tpu.memory_space<hbm>> -> memref<200x128xi32, #tpu.memory_space<hbm>>
      %dma_start3A_155 = arith.constant 0 : i32
      %dma_start3A_156 = tpu.memref_slice %arg2[%mul3A_2, %dma_start3A_155] : memref<6400x128xi32, #tpu.memory_space<hbm>> -> memref<200x128xi32, #tpu.memory_space<hbm>>
      tpu.enqueue_dma source(%dma_start3A_156 : memref<200x128xi32, #tpu.memory_space<hbm>>) target(%arg5 : memref<200x128xi32, #tpu.memory_space<vmem>>) target_semaphore(%run_scoped3A : memref<!tpu.dma_semaphore, #tpu.memory_space<semaphore_mem>>)
      %dma_wait3A_157 = arith.constant 0 : i32
      %dma_wait3A_158 = tpu.memref_slice %arg2[%mul3A_2, %dma_wait3A_157] : memref<6400x128xi32, #tpu.memory_space<hbm>> -> memref<200x128xi32, #tpu.memory_space<hbm>>
      %dma_wait3A_159 = arith.constant 0 : i32
      %dma_wait3A_160 = tpu.memref_slice %arg2[%mul3A_2, %dma_wait3A_159] : memref<6400x128xi32, #tpu.memory_space<hbm>> -> memref<200x128xi32, #tpu.memory_space<hbm>>
      tpu.wait_dma2 semaphore(%run_scoped3A : memref<!tpu.dma_semaphore, #tpu.memory_space<semaphore_mem>>) src(%dma_wait3A_160 : memref<200x128xi32, #tpu.memory_space<hbm>>) dst(%arg5 : memref<200x128xi32, #tpu.memory_space<vmem>>)
      tpu.yield
    }) : () -> ()
    %dma_start3A = arith.constant 0 : i32
    %dma_start3A_3 = arith.constant 0 : i32
    %dma_start3A_4 = arith.constant 0 : i32
    %dma_start3A_5 = arith.constant 0 : i32
    %dma_start3A_6 = arith.constant 0 : i32
    %dma_start3A_7 = tpu.memref_slice %arg6[%dma_start3A_3, %dma_start3A_4, %dma_start3A_5, %dma_start3A_6] : memref<2x10x128x32xf32, #tpu.memory_space<vmem>> -> memref<1x1x128x32xf32, #tpu.memory_space<vmem>>
    %dma_start3A_8 = tpu.memref_squeeze %dma_start3A_7 : memref<1x1x128x32xf32, #tpu.memory_space<vmem>> -> memref<128x32xf32, #tpu.memory_space<vmem>>
    %dma_start3A_9 = arith.constant 0 : i32
    %dma_start3A_10 = tpu.memref_slice %arg5[%dma_start3A, %dma_start3A_9] : memref<200x128xi32, #tpu.memory_space<vmem>> -> memref<1x128xi32, #tpu.memory_space<vmem>>
    %dma_start3A_11 = tpu.memref_squeeze %dma_start3A_10 : memref<1x128xi32, #tpu.memory_space<vmem>> -> memref<128xi32, #tpu.memory_space<vmem>>
    %dma_start3A_12 = arith.constant 0 : i32
    %dma_start3A_13 = arith.constant 0 : i32
    %dma_start3A_14 = tpu.memref_slice %arg3[%dma_start3A_12, %dma_start3A_13] : memref<1000000x32xf32, #tpu.memory_space<hbm>> -> memref<1000000x32xf32, #tpu.memory_space<hbm>>
    tpu.enqueue_indirect_dma source(%dma_start3A_14 : memref<1000000x32xf32, #tpu.memory_space<hbm>>) target(%dma_start3A_8 : memref<128x32xf32, #tpu.memory_space<vmem>>) offsets(%dma_start3A_11 : memref<128xi32, #tpu.memory_space<vmem>>) semaphore(%arg7 : memref<!tpu.dma_semaphore, #tpu.memory_space<semaphore_mem>>)
    %dma_start3A_15 = arith.constant 1 : i32
    %dma_start3A_16 = arith.constant 0 : i32
    %dma_start3A_17 = arith.constant 1 : i32
    %dma_start3A_18 = arith.constant 0 : i32
    %dma_start3A_19 = arith.constant 0 : i32
    %dma_start3A_20 = tpu.memref_slice %arg6[%dma_start3A_16, %dma_start3A_17, %dma_start3A_18, %dma_start3A_19] : memref<2x10x128x32xf32, #tpu.memory_space<vmem>> -> memref<1x1x128x32xf32, #tpu.memory_space<vmem>>
    %dma_start3A_21 = tpu.memref_squeeze %dma_start3A_20 : memref<1x1x128x32xf32, #tpu.memory_space<vmem>> -> memref<128x32xf32, #tpu.memory_space<vmem>>
    %dma_start3A_22 = arith.constant 0 : i32
    %dma_start3A_23 = tpu.memref_slice %arg5[%dma_start3A_15, %dma_start3A_22] : memref<200x128xi32, #tpu.memory_space<vmem>> -> memref<1x128xi32, #tpu.memory_space<vmem>>
    %dma_start3A_24 = tpu.memref_squeeze %dma_start3A_23 : memref<1x128xi32, #tpu.memory_space<vmem>> -> memref<128xi32, #tpu.memory_space<vmem>>
    %dma_start3A_25 = arith.constant 0 : i32
    %dma_start3A_26 = arith.constant 0 : i32
    %dma_start3A_27 = tpu.memref_slice %arg3[%dma_start3A_25, %dma_start3A_26] : memref<1000000x32xf32, #tpu.memory_space<hbm>> -> memref<1000000x32xf32, #tpu.memory_space<hbm>>
    tpu.enqueue_indirect_dma source(%dma_start3A_27 : memref<1000000x32xf32, #tpu.memory_space<hbm>>) target(%dma_start3A_21 : memref<128x32xf32, #tpu.memory_space<vmem>>) offsets(%dma_start3A_24 : memref<128xi32, #tpu.memory_space<vmem>>) semaphore(%arg7 : memref<!tpu.dma_semaphore, #tpu.memory_space<semaphore_mem>>)
    %dma_start3A_28 = arith.constant 2 : i32
    %dma_start3A_29 = arith.constant 0 : i32
    %dma_start3A_30 = arith.constant 2 : i32
    %dma_start3A_31 = arith.constant 0 : i32
    %dma_start3A_32 = arith.constant 0 : i32
    %dma_start3A_33 = tpu.memref_slice %arg6[%dma_start3A_29, %dma_start3A_30, %dma_start3A_31, %dma_start3A_32] : memref<2x10x128x32xf32, #tpu.memory_space<vmem>> -> memref<1x1x128x32xf32, #tpu.memory_space<vmem>>
    %dma_start3A_34 = tpu.memref_squeeze %dma_start3A_33 : memref<1x1x128x32xf32, #tpu.memory_space<vmem>> -> memref<128x32xf32, #tpu.memory_space<vmem>>
    %dma_start3A_35 = arith.constant 0 : i32
    %dma_start3A_36 = tpu.memref_slice %arg5[%dma_start3A_28, %dma_start3A_35] : memref<200x128xi32, #tpu.memory_space<vmem>> -> memref<1x128xi32, #tpu.memory_space<vmem>>
    %dma_start3A_37 = tpu.memref_squeeze %dma_start3A_36 : memref<1x128xi32, #tpu.memory_space<vmem>> -> memref<128xi32, #tpu.memory_space<vmem>>
    %dma_start3A_38 = arith.constant 0 : i32
    %dma_start3A_39 = arith.constant 0 : i32
    %dma_start3A_40 = tpu.memref_slice %arg3[%dma_start3A_38, %dma_start3A_39] : memref<1000000x32xf32, #tpu.memory_space<hbm>> -> memref<1000000x32xf32, #tpu.memory_space<hbm>>
    tpu.enqueue_indirect_dma source(%dma_start3A_40 : memref<1000000x32xf32, #tpu.memory_space<hbm>>) target(%dma_start3A_34 : memref<128x32xf32, #tpu.memory_space<vmem>>) offsets(%dma_start3A_37 : memref<128xi32, #tpu.memory_space<vmem>>) semaphore(%arg7 : memref<!tpu.dma_semaphore, #tpu.memory_space<semaphore_mem>>)
    %dma_start3A_41 = arith.constant 3 : i32
    %dma_start3A_42 = arith.constant 0 : i32
    %dma_start3A_43 = arith.constant 3 : i32
    %dma_start3A_44 = arith.constant 0 : i32
    %dma_start3A_45 = arith.constant 0 : i32
    %dma_start3A_46 = tpu.memref_slice %arg6[%dma_start3A_42, %dma_start3A_43, %dma_start3A_44, %dma_start3A_45] : memref<2x10x128x32xf32, #tpu.memory_space<vmem>> -> memref<1x1x128x32xf32, #tpu.memory_space<vmem>>
    %dma_start3A_47 = tpu.memref_squeeze %dma_start3A_46 : memref<1x1x128x32xf32, #tpu.memory_space<vmem>> -> memref<128x32xf32, #tpu.memory_space<vmem>>
    %dma_start3A_48 = arith.constant 0 : i32
    %dma_start3A_49 = tpu.memref_slice %arg5[%dma_start3A_41, %dma_start3A_48] : memref<200x128xi32, #tpu.memory_space<vmem>> -> memref<1x128xi32, #tpu.memory_space<vmem>>
    %dma_start3A_50 = tpu.memref_squeeze %dma_start3A_49 : memref<1x128xi32, #tpu.memory_space<vmem>> -> memref<128xi32, #tpu.memory_space<vmem>>
    %dma_start3A_51 = arith.constant 0 : i32
    %dma_start3A_52 = arith.constant 0 : i32
    %dma_start3A_53 = tpu.memref_slice %arg3[%dma_start3A_51, %dma_start3A_52] : memref<1000000x32xf32, #tpu.memory_space<hbm>> -> memref<1000000x32xf32, #tpu.memory_space<hbm>>
    tpu.enqueue_indirect_dma source(%dma_start3A_53 : memref<1000000x32xf32, #tpu.memory_space<hbm>>) target(%dma_start3A_47 : memref<128x32xf32, #tpu.memory_space<vmem>>) offsets(%dma_start3A_50 : memref<128xi32, #tpu.memory_space<vmem>>) semaphore(%arg7 : memref<!tpu.dma_semaphore, #tpu.memory_space<semaphore_mem>>)
    %dma_start3A_54 = arith.constant 4 : i32
    %dma_start3A_55 = arith.constant 0 : i32
    %dma_start3A_56 = arith.constant 4 : i32
    %dma_start3A_57 = arith.constant 0 : i32
    %dma_start3A_58 = arith.constant 0 : i32
    %dma_start3A_59 = tpu.memref_slice %arg6[%dma_start3A_55, %dma_start3A_56, %dma_start3A_57, %dma_start3A_58] : memref<2x10x128x32xf32, #tpu.memory_space<vmem>> -> memref<1x1x128x32xf32, #tpu.memory_space<vmem>>
    %dma_start3A_60 = tpu.memref_squeeze %dma_start3A_59 : memref<1x1x128x32xf32, #tpu.memory_space<vmem>> -> memref<128x32xf32, #tpu.memory_space<vmem>>
    %dma_start3A_61 = arith.constant 0 : i32
    %dma_start3A_62 = tpu.memref_slice %arg5[%dma_start3A_54, %dma_start3A_61] : memref<200x128xi32, #tpu.memory_space<vmem>> -> memref<1x128xi32, #tpu.memory_space<vmem>>
    %dma_start3A_63 = tpu.memref_squeeze %dma_start3A_62 : memref<1x128xi32, #tpu.memory_space<vmem>> -> memref<128xi32, #tpu.memory_space<vmem>>
    %dma_start3A_64 = arith.constant 0 : i32
    %dma_start3A_65 = arith.constant 0 : i32
    %dma_start3A_66 = tpu.memref_slice %arg3[%dma_start3A_64, %dma_start3A_65] : memref<1000000x32xf32, #tpu.memory_space<hbm>> -> memref<1000000x32xf32, #tpu.memory_space<hbm>>
    tpu.enqueue_indirect_dma source(%dma_start3A_66 : memref<1000000x32xf32, #tpu.memory_space<hbm>>) target(%dma_start3A_60 : memref<128x32xf32, #tpu.memory_space<vmem>>) offsets(%dma_start3A_63 : memref<128xi32, #tpu.memory_space<vmem>>) semaphore(%arg7 : memref<!tpu.dma_semaphore, #tpu.memory_space<semaphore_mem>>)
    %dma_start3A_67 = arith.constant 5 : i32
    %dma_start3A_68 = arith.constant 0 : i32
    %dma_start3A_69 = arith.constant 5 : i32
    %dma_start3A_70 = arith.constant 0 : i32
    %dma_start3A_71 = arith.constant 0 : i32
    %dma_start3A_72 = tpu.memref_slice %arg6[%dma_start3A_68, %dma_start3A_69, %dma_start3A_70, %dma_start3A_71] : memref<2x10x128x32xf32, #tpu.memory_space<vmem>> -> memref<1x1x128x32xf32, #tpu.memory_space<vmem>>
    %dma_start3A_73 = tpu.memref_squeeze %dma_start3A_72 : memref<1x1x128x32xf32, #tpu.memory_space<vmem>> -> memref<128x32xf32, #tpu.memory_space<vmem>>
    %dma_start3A_74 = arith.constant 0 : i32
    %dma_start3A_75 = tpu.memref_slice %arg5[%dma_start3A_67, %dma_start3A_74] : memref<200x128xi32, #tpu.memory_space<vmem>> -> memref<1x128xi32, #tpu.memory_space<vmem>>
    %dma_start3A_76 = tpu.memref_squeeze %dma_start3A_75 : memref<1x128xi32, #tpu.memory_space<vmem>> -> memref<128xi32, #tpu.memory_space<vmem>>
    %dma_start3A_77 = arith.constant 0 : i32
    %dma_start3A_78 = arith.constant 0 : i32
    %dma_start3A_79 = tpu.memref_slice %arg3[%dma_start3A_77, %dma_start3A_78] : memref<1000000x32xf32, #tpu.memory_space<hbm>> -> memref<1000000x32xf32, #tpu.memory_space<hbm>>
    tpu.enqueue_indirect_dma source(%dma_start3A_79 : memref<1000000x32xf32, #tpu.memory_space<hbm>>) target(%dma_start3A_73 : memref<128x32xf32, #tpu.memory_space<vmem>>) offsets(%dma_start3A_76 : memref<128xi32, #tpu.memory_space<vmem>>) semaphore(%arg7 : memref<!tpu.dma_semaphore, #tpu.memory_space<semaphore_mem>>)
    %dma_start3A_80 = arith.constant 6 : i32
    %dma_start3A_81 = arith.constant 0 : i32
    %dma_start3A_82 = arith.constant 6 : i32
    %dma_start3A_83 = arith.constant 0 : i32
    %dma_start3A_84 = arith.constant 0 : i32
    %dma_start3A_85 = tpu.memref_slice %arg6[%dma_start3A_81, %dma_start3A_82, %dma_start3A_83, %dma_start3A_84] : memref<2x10x128x32xf32, #tpu.memory_space<vmem>> -> memref<1x1x128x32xf32, #tpu.memory_space<vmem>>
    %dma_start3A_86 = tpu.memref_squeeze %dma_start3A_85 : memref<1x1x128x32xf32, #tpu.memory_space<vmem>> -> memref<128x32xf32, #tpu.memory_space<vmem>>
    %dma_start3A_87 = arith.constant 0 : i32
    %dma_start3A_88 = tpu.memref_slice %arg5[%dma_start3A_80, %dma_start3A_87] : memref<200x128xi32, #tpu.memory_space<vmem>> -> memref<1x128xi32, #tpu.memory_space<vmem>>
    %dma_start3A_89 = tpu.memref_squeeze %dma_start3A_88 : memref<1x128xi32, #tpu.memory_space<vmem>> -> memref<128xi32, #tpu.memory_space<vmem>>
    %dma_start3A_90 = arith.constant 0 : i32
    %dma_start3A_91 = arith.constant 0 : i32
    %dma_start3A_92 = tpu.memref_slice %arg3[%dma_start3A_90, %dma_start3A_91] : memref<1000000x32xf32, #tpu.memory_space<hbm>> -> memref<1000000x32xf32, #tpu.memory_space<hbm>>
    tpu.enqueue_indirect_dma source(%dma_start3A_92 : memref<1000000x32xf32, #tpu.memory_space<hbm>>) target(%dma_start3A_86 : memref<128x32xf32, #tpu.memory_space<vmem>>) offsets(%dma_start3A_89 : memref<128xi32, #tpu.memory_space<vmem>>) semaphore(%arg7 : memref<!tpu.dma_semaphore, #tpu.memory_space<semaphore_mem>>)
    %dma_start3A_93 = arith.constant 7 : i32
    %dma_start3A_94 = arith.constant 0 : i32
    %dma_start3A_95 = arith.constant 7 : i32
    %dma_start3A_96 = arith.constant 0 : i32
    %dma_start3A_97 = arith.constant 0 : i32
    %dma_start3A_98 = tpu.memref_slice %arg6[%dma_start3A_94, %dma_start3A_95, %dma_start3A_96, %dma_start3A_97] : memref<2x10x128x32xf32, #tpu.memory_space<vmem>> -> memref<1x1x128x32xf32, #tpu.memory_space<vmem>>
    %dma_start3A_99 = tpu.memref_squeeze %dma_start3A_98 : memref<1x1x128x32xf32, #tpu.memory_space<vmem>> -> memref<128x32xf32, #tpu.memory_space<vmem>>
    %dma_start3A_100 = arith.constant 0 : i32
    %dma_start3A_101 = tpu.memref_slice %arg5[%dma_start3A_93, %dma_start3A_100] : memref<200x128xi32, #tpu.memory_space<vmem>> -> memref<1x128xi32, #tpu.memory_space<vmem>>
    %dma_start3A_102 = tpu.memref_squeeze %dma_start3A_101 : memref<1x128xi32, #tpu.memory_space<vmem>> -> memref<128xi32, #tpu.memory_space<vmem>>
    %dma_start3A_103 = arith.constant 0 : i32
    %dma_start3A_104 = arith.constant 0 : i32
    %dma_start3A_105 = tpu.memref_slice %arg3[%dma_start3A_103, %dma_start3A_104] : memref<1000000x32xf32, #tpu.memory_space<hbm>> -> memref<1000000x32xf32, #tpu.memory_space<hbm>>
    tpu.enqueue_indirect_dma source(%dma_start3A_105 : memref<1000000x32xf32, #tpu.memory_space<hbm>>) target(%dma_start3A_99 : memref<128x32xf32, #tpu.memory_space<vmem>>) offsets(%dma_start3A_102 : memref<128xi32, #tpu.memory_space<vmem>>) semaphore(%arg7 : memref<!tpu.dma_semaphore, #tpu.memory_space<semaphore_mem>>)
    %dma_start3A_106 = arith.constant 8 : i32
    %dma_start3A_107 = arith.constant 0 : i32
    %dma_start3A_108 = arith.constant 8 : i32
    %dma_start3A_109 = arith.constant 0 : i32
    %dma_start3A_110 = arith.constant 0 : i32
    %dma_start3A_111 = tpu.memref_slice %arg6[%dma_start3A_107, %dma_start3A_108, %dma_start3A_109, %dma_start3A_110] : memref<2x10x128x32xf32, #tpu.memory_space<vmem>> -> memref<1x1x128x32xf32, #tpu.memory_space<vmem>>
    %dma_start3A_112 = tpu.memref_squeeze %dma_start3A_111 : memref<1x1x128x32xf32, #tpu.memory_space<vmem>> -> memref<128x32xf32, #tpu.memory_space<vmem>>
    %dma_start3A_113 = arith.constant 0 : i32
    %dma_start3A_114 = tpu.memref_slice %arg5[%dma_start3A_106, %dma_start3A_113] : memref<200x128xi32, #tpu.memory_space<vmem>> -> memref<1x128xi32, #tpu.memory_space<vmem>>
    %dma_start3A_115 = tpu.memref_squeeze %dma_start3A_114 : memref<1x128xi32, #tpu.memory_space<vmem>> -> memref<128xi32, #tpu.memory_space<vmem>>
    %dma_start3A_116 = arith.constant 0 : i32
    %dma_start3A_117 = arith.constant 0 : i32
    %dma_start3A_118 = tpu.memref_slice %arg3[%dma_start3A_116, %dma_start3A_117] : memref<1000000x32xf32, #tpu.memory_space<hbm>> -> memref<1000000x32xf32, #tpu.memory_space<hbm>>
    tpu.enqueue_indirect_dma source(%dma_start3A_118 : memref<1000000x32xf32, #tpu.memory_space<hbm>>) target(%dma_start3A_112 : memref<128x32xf32, #tpu.memory_space<vmem>>) offsets(%dma_start3A_115 : memref<128xi32, #tpu.memory_space<vmem>>) semaphore(%arg7 : memref<!tpu.dma_semaphore, #tpu.memory_space<semaphore_mem>>)
    %dma_start3A_119 = arith.constant 9 : i32
    %dma_start3A_120 = arith.constant 0 : i32
    %dma_start3A_121 = arith.constant 9 : i32
    %dma_start3A_122 = arith.constant 0 : i32
    %dma_start3A_123 = arith.constant 0 : i32
    %dma_start3A_124 = tpu.memref_slice %arg6[%dma_start3A_120, %dma_start3A_121, %dma_start3A_122, %dma_start3A_123] : memref<2x10x128x32xf32, #tpu.memory_space<vmem>> -> memref<1x1x128x32xf32, #tpu.memory_space<vmem>>
    %dma_start3A_125 = tpu.memref_squeeze %dma_start3A_124 : memref<1x1x128x32xf32, #tpu.memory_space<vmem>> -> memref<128x32xf32, #tpu.memory_space<vmem>>
    %dma_start3A_126 = arith.constant 0 : i32
    %dma_start3A_127 = tpu.memref_slice %arg5[%dma_start3A_119, %dma_start3A_126] : memref<200x128xi32, #tpu.memory_space<vmem>> -> memref<1x128xi32, #tpu.memory_space<vmem>>
    %dma_start3A_128 = tpu.memref_squeeze %dma_start3A_127 : memref<1x128xi32, #tpu.memory_space<vmem>> -> memref<128xi32, #tpu.memory_space<vmem>>
    %dma_start3A_129 = arith.constant 0 : i32
    %dma_start3A_130 = arith.constant 0 : i32
    %dma_start3A_131 = tpu.memref_slice %arg3[%dma_start3A_129, %dma_start3A_130] : memref<1000000x32xf32, #tpu.memory_space<hbm>> -> memref<1000000x32xf32, #tpu.memory_space<hbm>>
    tpu.enqueue_indirect_dma source(%dma_start3A_131 : memref<1000000x32xf32, #tpu.memory_space<hbm>>) target(%dma_start3A_125 : memref<128x32xf32, #tpu.memory_space<vmem>>) offsets(%dma_start3A_128 : memref<128xi32, #tpu.memory_space<vmem>>) semaphore(%arg7 : memref<!tpu.dma_semaphore, #tpu.memory_space<semaphore_mem>>)
    %scan3A = arith.constant 0 : i32
    %scan3A_132 = arith.constant 0 : i32
    %scan3A_133 = arith.constant 10 : i32
    %scan3A_134 = arith.addi %scan3A_132, %scan3A_133 : i32
    %scan3A_135 = arith.constant 1 : i32
    scf.for %scan3A_153 = %scan3A_132 to %scan3A_134 step %scan3A_135  : i32 {
      %mul3A_154 = arith.constant 2 : i32
      %mul3A_155 = arith.muli %mul3A_154, %scan3A_153 : i32
      %gt3A = arith.constant 0 : i32
      %gt3A_156 = arith.cmpi sgt, %scan3A_153, %gt3A : i32
      %convert_element_type3A = arith.extui %gt3A_156 : i1 to i32
      %cond3A = arith.constant 0 : i32
      %cond3A_157 = arith.cmpi ne, %convert_element_type3A, %cond3A : i32
      scf.if %cond3A_157 {
        %dma_wait3A_643 = arith.constant 1 : i32
        %dma_wait3A_644 = arith.constant 0 : i32
        %dma_wait3A_645 = arith.constant 0 : i32
        %dma_wait3A_646 = arith.constant 0 : i32
        %dma_wait3A_647 = tpu.memref_slice %arg6[%dma_wait3A_643, %dma_wait3A_644, %dma_wait3A_645, %dma_wait3A_646] : memref<2x10x128x32xf32, #tpu.memory_space<vmem>> -> memref<1x10x128x32xf32, #tpu.memory_space<vmem>>
        %dma_wait3A_648 = tpu.memref_squeeze %dma_wait3A_647 : memref<1x10x128x32xf32, #tpu.memory_space<vmem>> -> memref<10x128x32xf32, #tpu.memory_space<vmem>>
        %dma_wait3A_649 = arith.constant 0 : i32
        %dma_wait3A_650 = arith.constant 0 : i32
        %dma_wait3A_651 = tpu.memref_slice %arg4[%mul3A_2, %dma_wait3A_649, %dma_wait3A_650] : memref<6400x128x32xf32, #tpu.memory_space<hbm>> -> memref<10x128x32xf32, #tpu.memory_space<hbm>>
        %dma_wait3A_652 = arith.constant 0 : i32
        %dma_wait3A_653 = arith.constant 0 : i32
        %dma_wait3A_654 = tpu.memref_slice %arg4[%mul3A_2, %dma_wait3A_652, %dma_wait3A_653] : memref<6400x128x32xf32, #tpu.memory_space<hbm>> -> memref<10x128x32xf32, #tpu.memory_space<hbm>>
        %dma_wait3A_655 = arith.constant 0 : i32
        %dma_wait3A_656 = arith.constant 0 : i32
        %dma_wait3A_657 = arith.constant 0 : i32
        %dma_wait3A_658 = tpu.memref_slice %arg6[%dma_wait3A_643, %dma_wait3A_655, %dma_wait3A_656, %dma_wait3A_657] : memref<2x10x128x32xf32, #tpu.memory_space<vmem>> -> memref<1x10x128x32xf32, #tpu.memory_space<vmem>>
        %dma_wait3A_659 = tpu.memref_squeeze %dma_wait3A_658 : memref<1x10x128x32xf32, #tpu.memory_space<vmem>> -> memref<10x128x32xf32, #tpu.memory_space<vmem>>
        tpu.wait_dma2 semaphore(%arg9 : memref<!tpu.dma_semaphore, #tpu.memory_space<semaphore_mem>>) src(%dma_wait3A_659 : memref<10x128x32xf32, #tpu.memory_space<vmem>>) dst(%dma_wait3A_654 : memref<10x128x32xf32, #tpu.memory_space<hbm>>)
      } else {
      }
      %add3A_158 = arith.constant 1 : i32
      %add3A_159 = arith.addi %mul3A_155, %add3A_158 : i32
      %mul3A_160 = arith.constant 10 : i32
      %mul3A_161 = arith.muli %add3A_159, %mul3A_160 : i32
      %add3A_162 = arith.constant 0 : i32
      %add3A_163 = arith.addi %mul3A_161, %add3A_162 : i32
      %dma_start3A_164 = arith.constant 1 : i32
      %dma_start3A_165 = arith.constant 0 : i32
      %dma_start3A_166 = arith.constant 0 : i32
      %dma_start3A_167 = arith.constant 0 : i32
      %dma_start3A_168 = tpu.memref_slice %arg6[%dma_start3A_164, %dma_start3A_165, %dma_start3A_166, %dma_start3A_167] : memref<2x10x128x32xf32, #tpu.memory_space<vmem>> -> memref<1x1x128x32xf32, #tpu.memory_space<vmem>>
      %dma_start3A_169 = tpu.memref_squeeze %dma_start3A_168 : memref<1x1x128x32xf32, #tpu.memory_space<vmem>> -> memref<128x32xf32, #tpu.memory_space<vmem>>
      %dma_start3A_170 = arith.constant 0 : i32
      %dma_start3A_171 = tpu.memref_slice %arg5[%add3A_163, %dma_start3A_170] : memref<200x128xi32, #tpu.memory_space<vmem>> -> memref<1x128xi32, #tpu.memory_space<vmem>>
      %dma_start3A_172 = tpu.memref_squeeze %dma_start3A_171 : memref<1x128xi32, #tpu.memory_space<vmem>> -> memref<128xi32, #tpu.memory_space<vmem>>
      %dma_start3A_173 = arith.constant 0 : i32
      %dma_start3A_174 = arith.constant 0 : i32
      %dma_start3A_175 = tpu.memref_slice %arg3[%dma_start3A_173, %dma_start3A_174] : memref<1000000x32xf32, #tpu.memory_space<hbm>> -> memref<1000000x32xf32, #tpu.memory_space<hbm>>
      tpu.enqueue_indirect_dma source(%dma_start3A_175 : memref<1000000x32xf32, #tpu.memory_space<hbm>>) target(%dma_start3A_169 : memref<128x32xf32, #tpu.memory_space<vmem>>) offsets(%dma_start3A_172 : memref<128xi32, #tpu.memory_space<vmem>>) semaphore(%arg8 : memref<!tpu.dma_semaphore, #tpu.memory_space<semaphore_mem>>)
      %mul3A_176 = arith.constant 10 : i32
      %mul3A_177 = arith.muli %add3A_159, %mul3A_176 : i32
      %add3A_178 = arith.constant 1 : i32
      %add3A_179 = arith.addi %mul3A_177, %add3A_178 : i32
      %dma_start3A_180 = arith.constant 1 : i32
      %dma_start3A_181 = arith.constant 1 : i32
      %dma_start3A_182 = arith.constant 0 : i32
      %dma_start3A_183 = arith.constant 0 : i32
      %dma_start3A_184 = tpu.memref_slice %arg6[%dma_start3A_180, %dma_start3A_181, %dma_start3A_182, %dma_start3A_183] : memref<2x10x128x32xf32, #tpu.memory_space<vmem>> -> memref<1x1x128x32xf32, #tpu.memory_space<vmem>>
      %dma_start3A_185 = tpu.memref_squeeze %dma_start3A_184 : memref<1x1x128x32xf32, #tpu.memory_space<vmem>> -> memref<128x32xf32, #tpu.memory_space<vmem>>
      %dma_start3A_186 = arith.constant 0 : i32
      %dma_start3A_187 = tpu.memref_slice %arg5[%add3A_179, %dma_start3A_186] : memref<200x128xi32, #tpu.memory_space<vmem>> -> memref<1x128xi32, #tpu.memory_space<vmem>>
      %dma_start3A_188 = tpu.memref_squeeze %dma_start3A_187 : memref<1x128xi32, #tpu.memory_space<vmem>> -> memref<128xi32, #tpu.memory_space<vmem>>
      %dma_start3A_189 = arith.constant 0 : i32
      %dma_start3A_190 = arith.constant 0 : i32
      %dma_start3A_191 = tpu.memref_slice %arg3[%dma_start3A_189, %dma_start3A_190] : memref<1000000x32xf32, #tpu.memory_space<hbm>> -> memref<1000000x32xf32, #tpu.memory_space<hbm>>
      tpu.enqueue_indirect_dma source(%dma_start3A_191 : memref<1000000x32xf32, #tpu.memory_space<hbm>>) target(%dma_start3A_185 : memref<128x32xf32, #tpu.memory_space<vmem>>) offsets(%dma_start3A_188 : memref<128xi32, #tpu.memory_space<vmem>>) semaphore(%arg8 : memref<!tpu.dma_semaphore, #tpu.memory_space<semaphore_mem>>)
      %mul3A_192 = arith.constant 10 : i32
      %mul3A_193 = arith.muli %add3A_159, %mul3A_192 : i32
      %add3A_194 = arith.constant 2 : i32
      %add3A_195 = arith.addi %mul3A_193, %add3A_194 : i32
      %dma_start3A_196 = arith.constant 1 : i32
      %dma_start3A_197 = arith.constant 2 : i32
      %dma_start3A_198 = arith.constant 0 : i32
      %dma_start3A_199 = arith.constant 0 : i32
      %dma_start3A_200 = tpu.memref_slice %arg6[%dma_start3A_196, %dma_start3A_197, %dma_start3A_198, %dma_start3A_199] : memref<2x10x128x32xf32, #tpu.memory_space<vmem>> -> memref<1x1x128x32xf32, #tpu.memory_space<vmem>>
      %dma_start3A_201 = tpu.memref_squeeze %dma_start3A_200 : memref<1x1x128x32xf32, #tpu.memory_space<vmem>> -> memref<128x32xf32, #tpu.memory_space<vmem>>
      %dma_start3A_202 = arith.constant 0 : i32
      %dma_start3A_203 = tpu.memref_slice %arg5[%add3A_195, %dma_start3A_202] : memref<200x128xi32, #tpu.memory_space<vmem>> -> memref<1x128xi32, #tpu.memory_space<vmem>>
      %dma_start3A_204 = tpu.memref_squeeze %dma_start3A_203 : memref<1x128xi32, #tpu.memory_space<vmem>> -> memref<128xi32, #tpu.memory_space<vmem>>
      %dma_start3A_205 = arith.constant 0 : i32
      %dma_start3A_206 = arith.constant 0 : i32
      %dma_start3A_207 = tpu.memref_slice %arg3[%dma_start3A_205, %dma_start3A_206] : memref<1000000x32xf32, #tpu.memory_space<hbm>> -> memref<1000000x32xf32, #tpu.memory_space<hbm>>
      tpu.enqueue_indirect_dma source(%dma_start3A_207 : memref<1000000x32xf32, #tpu.memory_space<hbm>>) target(%dma_start3A_201 : memref<128x32xf32, #tpu.memory_space<vmem>>) offsets(%dma_start3A_204 : memref<128xi32, #tpu.memory_space<vmem>>) semaphore(%arg8 : memref<!tpu.dma_semaphore, #tpu.memory_space<semaphore_mem>>)
      %mul3A_208 = arith.constant 10 : i32
      %mul3A_209 = arith.muli %add3A_159, %mul3A_208 : i32
      %add3A_210 = arith.constant 3 : i32
      %add3A_211 = arith.addi %mul3A_209, %add3A_210 : i32
      %dma_start3A_212 = arith.constant 1 : i32
      %dma_start3A_213 = arith.constant 3 : i32
      %dma_start3A_214 = arith.constant 0 : i32
      %dma_start3A_215 = arith.constant 0 : i32
      %dma_start3A_216 = tpu.memref_slice %arg6[%dma_start3A_212, %dma_start3A_213, %dma_start3A_214, %dma_start3A_215] : memref<2x10x128x32xf32, #tpu.memory_space<vmem>> -> memref<1x1x128x32xf32, #tpu.memory_space<vmem>>
      %dma_start3A_217 = tpu.memref_squeeze %dma_start3A_216 : memref<1x1x128x32xf32, #tpu.memory_space<vmem>> -> memref<128x32xf32, #tpu.memory_space<vmem>>
      %dma_start3A_218 = arith.constant 0 : i32
      %dma_start3A_219 = tpu.memref_slice %arg5[%add3A_211, %dma_start3A_218] : memref<200x128xi32, #tpu.memory_space<vmem>> -> memref<1x128xi32, #tpu.memory_space<vmem>>
      %dma_start3A_220 = tpu.memref_squeeze %dma_start3A_219 : memref<1x128xi32, #tpu.memory_space<vmem>> -> memref<128xi32, #tpu.memory_space<vmem>>
      %dma_start3A_221 = arith.constant 0 : i32
      %dma_start3A_222 = arith.constant 0 : i32
      %dma_start3A_223 = tpu.memref_slice %arg3[%dma_start3A_221, %dma_start3A_222] : memref<1000000x32xf32, #tpu.memory_space<hbm>> -> memref<1000000x32xf32, #tpu.memory_space<hbm>>
      tpu.enqueue_indirect_dma source(%dma_start3A_223 : memref<1000000x32xf32, #tpu.memory_space<hbm>>) target(%dma_start3A_217 : memref<128x32xf32, #tpu.memory_space<vmem>>) offsets(%dma_start3A_220 : memref<128xi32, #tpu.memory_space<vmem>>) semaphore(%arg8 : memref<!tpu.dma_semaphore, #tpu.memory_space<semaphore_mem>>)
      %mul3A_224 = arith.constant 10 : i32
      %mul3A_225 = arith.muli %add3A_159, %mul3A_224 : i32
      %add3A_226 = arith.constant 4 : i32
      %add3A_227 = arith.addi %mul3A_225, %add3A_226 : i32
      %dma_start3A_228 = arith.constant 1 : i32
      %dma_start3A_229 = arith.constant 4 : i32
      %dma_start3A_230 = arith.constant 0 : i32
      %dma_start3A_231 = arith.constant 0 : i32
      %dma_start3A_232 = tpu.memref_slice %arg6[%dma_start3A_228, %dma_start3A_229, %dma_start3A_230, %dma_start3A_231] : memref<2x10x128x32xf32, #tpu.memory_space<vmem>> -> memref<1x1x128x32xf32, #tpu.memory_space<vmem>>
      %dma_start3A_233 = tpu.memref_squeeze %dma_start3A_232 : memref<1x1x128x32xf32, #tpu.memory_space<vmem>> -> memref<128x32xf32, #tpu.memory_space<vmem>>
      %dma_start3A_234 = arith.constant 0 : i32
      %dma_start3A_235 = tpu.memref_slice %arg5[%add3A_227, %dma_start3A_234] : memref<200x128xi32, #tpu.memory_space<vmem>> -> memref<1x128xi32, #tpu.memory_space<vmem>>
      %dma_start3A_236 = tpu.memref_squeeze %dma_start3A_235 : memref<1x128xi32, #tpu.memory_space<vmem>> -> memref<128xi32, #tpu.memory_space<vmem>>
      %dma_start3A_237 = arith.constant 0 : i32
      %dma_start3A_238 = arith.constant 0 : i32
      %dma_start3A_239 = tpu.memref_slice %arg3[%dma_start3A_237, %dma_start3A_238] : memref<1000000x32xf32, #tpu.memory_space<hbm>> -> memref<1000000x32xf32, #tpu.memory_space<hbm>>
      tpu.enqueue_indirect_dma source(%dma_start3A_239 : memref<1000000x32xf32, #tpu.memory_space<hbm>>) target(%dma_start3A_233 : memref<128x32xf32, #tpu.memory_space<vmem>>) offsets(%dma_start3A_236 : memref<128xi32, #tpu.memory_space<vmem>>) semaphore(%arg8 : memref<!tpu.dma_semaphore, #tpu.memory_space<semaphore_mem>>)
      %mul3A_240 = arith.constant 10 : i32
      %mul3A_241 = arith.muli %add3A_159, %mul3A_240 : i32
      %add3A_242 = arith.constant 5 : i32
      %add3A_243 = arith.addi %mul3A_241, %add3A_242 : i32
      %dma_start3A_244 = arith.constant 1 : i32
      %dma_start3A_245 = arith.constant 5 : i32
      %dma_start3A_246 = arith.constant 0 : i32
      %dma_start3A_247 = arith.constant 0 : i32
      %dma_start3A_248 = tpu.memref_slice %arg6[%dma_start3A_244, %dma_start3A_245, %dma_start3A_246, %dma_start3A_247] : memref<2x10x128x32xf32, #tpu.memory_space<vmem>> -> memref<1x1x128x32xf32, #tpu.memory_space<vmem>>
      %dma_start3A_249 = tpu.memref_squeeze %dma_start3A_248 : memref<1x1x128x32xf32, #tpu.memory_space<vmem>> -> memref<128x32xf32, #tpu.memory_space<vmem>>
      %dma_start3A_250 = arith.constant 0 : i32
      %dma_start3A_251 = tpu.memref_slice %arg5[%add3A_243, %dma_start3A_250] : memref<200x128xi32, #tpu.memory_space<vmem>> -> memref<1x128xi32, #tpu.memory_space<vmem>>
      %dma_start3A_252 = tpu.memref_squeeze %dma_start3A_251 : memref<1x128xi32, #tpu.memory_space<vmem>> -> memref<128xi32, #tpu.memory_space<vmem>>
      %dma_start3A_253 = arith.constant 0 : i32
      %dma_start3A_254 = arith.constant 0 : i32
      %dma_start3A_255 = tpu.memref_slice %arg3[%dma_start3A_253, %dma_start3A_254] : memref<1000000x32xf32, #tpu.memory_space<hbm>> -> memref<1000000x32xf32, #tpu.memory_space<hbm>>
      tpu.enqueue_indirect_dma source(%dma_start3A_255 : memref<1000000x32xf32, #tpu.memory_space<hbm>>) target(%dma_start3A_249 : memref<128x32xf32, #tpu.memory_space<vmem>>) offsets(%dma_start3A_252 : memref<128xi32, #tpu.memory_space<vmem>>) semaphore(%arg8 : memref<!tpu.dma_semaphore, #tpu.memory_space<semaphore_mem>>)
      %mul3A_256 = arith.constant 10 : i32
      %mul3A_257 = arith.muli %add3A_159, %mul3A_256 : i32
      %add3A_258 = arith.constant 6 : i32
      %add3A_259 = arith.addi %mul3A_257, %add3A_258 : i32
      %dma_start3A_260 = arith.constant 1 : i32
      %dma_start3A_261 = arith.constant 6 : i32
      %dma_start3A_262 = arith.constant 0 : i32
      %dma_start3A_263 = arith.constant 0 : i32
      %dma_start3A_264 = tpu.memref_slice %arg6[%dma_start3A_260, %dma_start3A_261, %dma_start3A_262, %dma_start3A_263] : memref<2x10x128x32xf32, #tpu.memory_space<vmem>> -> memref<1x1x128x32xf32, #tpu.memory_space<vmem>>
      %dma_start3A_265 = tpu.memref_squeeze %dma_start3A_264 : memref<1x1x128x32xf32, #tpu.memory_space<vmem>> -> memref<128x32xf32, #tpu.memory_space<vmem>>
      %dma_start3A_266 = arith.constant 0 : i32
      %dma_start3A_267 = tpu.memref_slice %arg5[%add3A_259, %dma_start3A_266] : memref<200x128xi32, #tpu.memory_space<vmem>> -> memref<1x128xi32, #tpu.memory_space<vmem>>
      %dma_start3A_268 = tpu.memref_squeeze %dma_start3A_267 : memref<1x128xi32, #tpu.memory_space<vmem>> -> memref<128xi32, #tpu.memory_space<vmem>>
      %dma_start3A_269 = arith.constant 0 : i32
      %dma_start3A_270 = arith.constant 0 : i32
      %dma_start3A_271 = tpu.memref_slice %arg3[%dma_start3A_269, %dma_start3A_270] : memref<1000000x32xf32, #tpu.memory_space<hbm>> -> memref<1000000x32xf32, #tpu.memory_space<hbm>>
      tpu.enqueue_indirect_dma source(%dma_start3A_271 : memref<1000000x32xf32, #tpu.memory_space<hbm>>) target(%dma_start3A_265 : memref<128x32xf32, #tpu.memory_space<vmem>>) offsets(%dma_start3A_268 : memref<128xi32, #tpu.memory_space<vmem>>) semaphore(%arg8 : memref<!tpu.dma_semaphore, #tpu.memory_space<semaphore_mem>>)
      %mul3A_272 = arith.constant 10 : i32
      %mul3A_273 = arith.muli %add3A_159, %mul3A_272 : i32
      %add3A_274 = arith.constant 7 : i32
      %add3A_275 = arith.addi %mul3A_273, %add3A_274 : i32
      %dma_start3A_276 = arith.constant 1 : i32
      %dma_start3A_277 = arith.constant 7 : i32
      %dma_start3A_278 = arith.constant 0 : i32
      %dma_start3A_279 = arith.constant 0 : i32
      %dma_start3A_280 = tpu.memref_slice %arg6[%dma_start3A_276, %dma_start3A_277, %dma_start3A_278, %dma_start3A_279] : memref<2x10x128x32xf32, #tpu.memory_space<vmem>> -> memref<1x1x128x32xf32, #tpu.memory_space<vmem>>
      %dma_start3A_281 = tpu.memref_squeeze %dma_start3A_280 : memref<1x1x128x32xf32, #tpu.memory_space<vmem>> -> memref<128x32xf32, #tpu.memory_space<vmem>>
      %dma_start3A_282 = arith.constant 0 : i32
      %dma_start3A_283 = tpu.memref_slice %arg5[%add3A_275, %dma_start3A_282] : memref<200x128xi32, #tpu.memory_space<vmem>> -> memref<1x128xi32, #tpu.memory_space<vmem>>
      %dma_start3A_284 = tpu.memref_squeeze %dma_start3A_283 : memref<1x128xi32, #tpu.memory_space<vmem>> -> memref<128xi32, #tpu.memory_space<vmem>>
      %dma_start3A_285 = arith.constant 0 : i32
      %dma_start3A_286 = arith.constant 0 : i32
      %dma_start3A_287 = tpu.memref_slice %arg3[%dma_start3A_285, %dma_start3A_286] : memref<1000000x32xf32, #tpu.memory_space<hbm>> -> memref<1000000x32xf32, #tpu.memory_space<hbm>>
      tpu.enqueue_indirect_dma source(%dma_start3A_287 : memref<1000000x32xf32, #tpu.memory_space<hbm>>) target(%dma_start3A_281 : memref<128x32xf32, #tpu.memory_space<vmem>>) offsets(%dma_start3A_284 : memref<128xi32, #tpu.memory_space<vmem>>) semaphore(%arg8 : memref<!tpu.dma_semaphore, #tpu.memory_space<semaphore_mem>>)
      %mul3A_288 = arith.constant 10 : i32
      %mul3A_289 = arith.muli %add3A_159, %mul3A_288 : i32
      %add3A_290 = arith.constant 8 : i32
      %add3A_291 = arith.addi %mul3A_289, %add3A_290 : i32
      %dma_start3A_292 = arith.constant 1 : i32
      %dma_start3A_293 = arith.constant 8 : i32
      %dma_start3A_294 = arith.constant 0 : i32
      %dma_start3A_295 = arith.constant 0 : i32
      %dma_start3A_296 = tpu.memref_slice %arg6[%dma_start3A_292, %dma_start3A_293, %dma_start3A_294, %dma_start3A_295] : memref<2x10x128x32xf32, #tpu.memory_space<vmem>> -> memref<1x1x128x32xf32, #tpu.memory_space<vmem>>
      %dma_start3A_297 = tpu.memref_squeeze %dma_start3A_296 : memref<1x1x128x32xf32, #tpu.memory_space<vmem>> -> memref<128x32xf32, #tpu.memory_space<vmem>>
      %dma_start3A_298 = arith.constant 0 : i32
      %dma_start3A_299 = tpu.memref_slice %arg5[%add3A_291, %dma_start3A_298] : memref<200x128xi32, #tpu.memory_space<vmem>> -> memref<1x128xi32, #tpu.memory_space<vmem>>
      %dma_start3A_300 = tpu.memref_squeeze %dma_start3A_299 : memref<1x128xi32, #tpu.memory_space<vmem>> -> memref<128xi32, #tpu.memory_space<vmem>>
      %dma_start3A_301 = arith.constant 0 : i32
      %dma_start3A_302 = arith.constant 0 : i32
      %dma_start3A_303 = tpu.memref_slice %arg3[%dma_start3A_301, %dma_start3A_302] : memref<1000000x32xf32, #tpu.memory_space<hbm>> -> memref<1000000x32xf32, #tpu.memory_space<hbm>>
      tpu.enqueue_indirect_dma source(%dma_start3A_303 : memref<1000000x32xf32, #tpu.memory_space<hbm>>) target(%dma_start3A_297 : memref<128x32xf32, #tpu.memory_space<vmem>>) offsets(%dma_start3A_300 : memref<128xi32, #tpu.memory_space<vmem>>) semaphore(%arg8 : memref<!tpu.dma_semaphore, #tpu.memory_space<semaphore_mem>>)
      %mul3A_304 = arith.constant 10 : i32
      %mul3A_305 = arith.muli %add3A_159, %mul3A_304 : i32
      %add3A_306 = arith.constant 9 : i32
      %add3A_307 = arith.addi %mul3A_305, %add3A_306 : i32
      %dma_start3A_308 = arith.constant 1 : i32
      %dma_start3A_309 = arith.constant 9 : i32
      %dma_start3A_310 = arith.constant 0 : i32
      %dma_start3A_311 = arith.constant 0 : i32
      %dma_start3A_312 = tpu.memref_slice %arg6[%dma_start3A_308, %dma_start3A_309, %dma_start3A_310, %dma_start3A_311] : memref<2x10x128x32xf32, #tpu.memory_space<vmem>> -> memref<1x1x128x32xf32, #tpu.memory_space<vmem>>
      %dma_start3A_313 = tpu.memref_squeeze %dma_start3A_312 : memref<1x1x128x32xf32, #tpu.memory_space<vmem>> -> memref<128x32xf32, #tpu.memory_space<vmem>>
      %dma_start3A_314 = arith.constant 0 : i32
      %dma_start3A_315 = tpu.memref_slice %arg5[%add3A_307, %dma_start3A_314] : memref<200x128xi32, #tpu.memory_space<vmem>> -> memref<1x128xi32, #tpu.memory_space<vmem>>
      %dma_start3A_316 = tpu.memref_squeeze %dma_start3A_315 : memref<1x128xi32, #tpu.memory_space<vmem>> -> memref<128xi32, #tpu.memory_space<vmem>>
      %dma_start3A_317 = arith.constant 0 : i32
      %dma_start3A_318 = arith.constant 0 : i32
      %dma_start3A_319 = tpu.memref_slice %arg3[%dma_start3A_317, %dma_start3A_318] : memref<1000000x32xf32, #tpu.memory_space<hbm>> -> memref<1000000x32xf32, #tpu.memory_space<hbm>>
      tpu.enqueue_indirect_dma source(%dma_start3A_319 : memref<1000000x32xf32, #tpu.memory_space<hbm>>) target(%dma_start3A_313 : memref<128x32xf32, #tpu.memory_space<vmem>>) offsets(%dma_start3A_316 : memref<128xi32, #tpu.memory_space<vmem>>) semaphore(%arg8 : memref<!tpu.dma_semaphore, #tpu.memory_space<semaphore_mem>>)
      %dma_wait3A_320 = arith.constant 0 : i32
      %dma_wait3A_321 = arith.constant 0 : i32
      %dma_wait3A_322 = arith.constant 0 : i32
      %dma_wait3A_323 = arith.constant 0 : i32
      %dma_wait3A_324 = arith.constant 0 : i32
      %dma_wait3A_325 = tpu.memref_slice %arg6[%dma_wait3A_321, %dma_wait3A_322, %dma_wait3A_323, %dma_wait3A_324] : memref<2x10x128x32xf32, #tpu.memory_space<vmem>> -> memref<1x1x128x32xf32, #tpu.memory_space<vmem>>
      %dma_wait3A_326 = tpu.memref_squeeze %dma_wait3A_325 : memref<1x1x128x32xf32, #tpu.memory_space<vmem>> -> memref<128x32xf32, #tpu.memory_space<vmem>>
      %dma_wait3A_327 = arith.constant 0 : i32
      %dma_wait3A_328 = tpu.memref_slice %arg5[%dma_wait3A_320, %dma_wait3A_327] : memref<200x128xi32, #tpu.memory_space<vmem>> -> memref<1x128xi32, #tpu.memory_space<vmem>>
      %dma_wait3A_329 = tpu.memref_squeeze %dma_wait3A_328 : memref<1x128xi32, #tpu.memory_space<vmem>> -> memref<128xi32, #tpu.memory_space<vmem>>
      %dma_wait3A_330 = arith.constant 0 : i32
      %dma_wait3A_331 = arith.constant 0 : i32
      %dma_wait3A_332 = tpu.memref_slice %arg3[%dma_wait3A_330, %dma_wait3A_331] : memref<1000000x32xf32, #tpu.memory_space<hbm>> -> memref<1000000x32xf32, #tpu.memory_space<hbm>>
      tpu.wait_indirect_dma semaphore(%arg7 : memref<!tpu.dma_semaphore, #tpu.memory_space<semaphore_mem>>) src(%dma_wait3A_332 : memref<1000000x32xf32, #tpu.memory_space<hbm>>) dst(%dma_wait3A_326 : memref<128x32xf32, #tpu.memory_space<vmem>>)
      %dma_wait3A_333 = arith.constant 1 : i32
      %dma_wait3A_334 = arith.constant 0 : i32
      %dma_wait3A_335 = arith.constant 1 : i32
      %dma_wait3A_336 = arith.constant 0 : i32
      %dma_wait3A_337 = arith.constant 0 : i32
      %dma_wait3A_338 = tpu.memref_slice %arg6[%dma_wait3A_334, %dma_wait3A_335, %dma_wait3A_336, %dma_wait3A_337] : memref<2x10x128x32xf32, #tpu.memory_space<vmem>> -> memref<1x1x128x32xf32, #tpu.memory_space<vmem>>
      %dma_wait3A_339 = tpu.memref_squeeze %dma_wait3A_338 : memref<1x1x128x32xf32, #tpu.memory_space<vmem>> -> memref<128x32xf32, #tpu.memory_space<vmem>>
      %dma_wait3A_340 = arith.constant 0 : i32
      %dma_wait3A_341 = tpu.memref_slice %arg5[%dma_wait3A_333, %dma_wait3A_340] : memref<200x128xi32, #tpu.memory_space<vmem>> -> memref<1x128xi32, #tpu.memory_space<vmem>>
      %dma_wait3A_342 = tpu.memref_squeeze %dma_wait3A_341 : memref<1x128xi32, #tpu.memory_space<vmem>> -> memref<128xi32, #tpu.memory_space<vmem>>
      %dma_wait3A_343 = arith.constant 0 : i32
      %dma_wait3A_344 = arith.constant 0 : i32
      %dma_wait3A_345 = tpu.memref_slice %arg3[%dma_wait3A_343, %dma_wait3A_344] : memref<1000000x32xf32, #tpu.memory_space<hbm>> -> memref<1000000x32xf32, #tpu.memory_space<hbm>>
      tpu.wait_indirect_dma semaphore(%arg7 : memref<!tpu.dma_semaphore, #tpu.memory_space<semaphore_mem>>) src(%dma_wait3A_345 : memref<1000000x32xf32, #tpu.memory_space<hbm>>) dst(%dma_wait3A_339 : memref<128x32xf32, #tpu.memory_space<vmem>>)
      %dma_wait3A_346 = arith.constant 2 : i32
      %dma_wait3A_347 = arith.constant 0 : i32
      %dma_wait3A_348 = arith.constant 2 : i32
      %dma_wait3A_349 = arith.constant 0 : i32
      %dma_wait3A_350 = arith.constant 0 : i32
      %dma_wait3A_351 = tpu.memref_slice %arg6[%dma_wait3A_347, %dma_wait3A_348, %dma_wait3A_349, %dma_wait3A_350] : memref<2x10x128x32xf32, #tpu.memory_space<vmem>> -> memref<1x1x128x32xf32, #tpu.memory_space<vmem>>
      %dma_wait3A_352 = tpu.memref_squeeze %dma_wait3A_351 : memref<1x1x128x32xf32, #tpu.memory_space<vmem>> -> memref<128x32xf32, #tpu.memory_space<vmem>>
      %dma_wait3A_353 = arith.constant 0 : i32
      %dma_wait3A_354 = tpu.memref_slice %arg5[%dma_wait3A_346, %dma_wait3A_353] : memref<200x128xi32, #tpu.memory_space<vmem>> -> memref<1x128xi32, #tpu.memory_space<vmem>>
      %dma_wait3A_355 = tpu.memref_squeeze %dma_wait3A_354 : memref<1x128xi32, #tpu.memory_space<vmem>> -> memref<128xi32, #tpu.memory_space<vmem>>
      %dma_wait3A_356 = arith.constant 0 : i32
      %dma_wait3A_357 = arith.constant 0 : i32
      %dma_wait3A_358 = tpu.memref_slice %arg3[%dma_wait3A_356, %dma_wait3A_357] : memref<1000000x32xf32, #tpu.memory_space<hbm>> -> memref<1000000x32xf32, #tpu.memory_space<hbm>>
      tpu.wait_indirect_dma semaphore(%arg7 : memref<!tpu.dma_semaphore, #tpu.memory_space<semaphore_mem>>) src(%dma_wait3A_358 : memref<1000000x32xf32, #tpu.memory_space<hbm>>) dst(%dma_wait3A_352 : memref<128x32xf32, #tpu.memory_space<vmem>>)
      %dma_wait3A_359 = arith.constant 3 : i32
      %dma_wait3A_360 = arith.constant 0 : i32
      %dma_wait3A_361 = arith.constant 3 : i32
      %dma_wait3A_362 = arith.constant 0 : i32
      %dma_wait3A_363 = arith.constant 0 : i32
      %dma_wait3A_364 = tpu.memref_slice %arg6[%dma_wait3A_360, %dma_wait3A_361, %dma_wait3A_362, %dma_wait3A_363] : memref<2x10x128x32xf32, #tpu.memory_space<vmem>> -> memref<1x1x128x32xf32, #tpu.memory_space<vmem>>
      %dma_wait3A_365 = tpu.memref_squeeze %dma_wait3A_364 : memref<1x1x128x32xf32, #tpu.memory_space<vmem>> -> memref<128x32xf32, #tpu.memory_space<vmem>>
      %dma_wait3A_366 = arith.constant 0 : i32
      %dma_wait3A_367 = tpu.memref_slice %arg5[%dma_wait3A_359, %dma_wait3A_366] : memref<200x128xi32, #tpu.memory_space<vmem>> -> memref<1x128xi32, #tpu.memory_space<vmem>>
      %dma_wait3A_368 = tpu.memref_squeeze %dma_wait3A_367 : memref<1x128xi32, #tpu.memory_space<vmem>> -> memref<128xi32, #tpu.memory_space<vmem>>
      %dma_wait3A_369 = arith.constant 0 : i32
      %dma_wait3A_370 = arith.constant 0 : i32
      %dma_wait3A_371 = tpu.memref_slice %arg3[%dma_wait3A_369, %dma_wait3A_370] : memref<1000000x32xf32, #tpu.memory_space<hbm>> -> memref<1000000x32xf32, #tpu.memory_space<hbm>>
      tpu.wait_indirect_dma semaphore(%arg7 : memref<!tpu.dma_semaphore, #tpu.memory_space<semaphore_mem>>) src(%dma_wait3A_371 : memref<1000000x32xf32, #tpu.memory_space<hbm>>) dst(%dma_wait3A_365 : memref<128x32xf32, #tpu.memory_space<vmem>>)
      %dma_wait3A_372 = arith.constant 4 : i32
      %dma_wait3A_373 = arith.constant 0 : i32
      %dma_wait3A_374 = arith.constant 4 : i32
      %dma_wait3A_375 = arith.constant 0 : i32
      %dma_wait3A_376 = arith.constant 0 : i32
      %dma_wait3A_377 = tpu.memref_slice %arg6[%dma_wait3A_373, %dma_wait3A_374, %dma_wait3A_375, %dma_wait3A_376] : memref<2x10x128x32xf32, #tpu.memory_space<vmem>> -> memref<1x1x128x32xf32, #tpu.memory_space<vmem>>
      %dma_wait3A_378 = tpu.memref_squeeze %dma_wait3A_377 : memref<1x1x128x32xf32, #tpu.memory_space<vmem>> -> memref<128x32xf32, #tpu.memory_space<vmem>>
      %dma_wait3A_379 = arith.constant 0 : i32
      %dma_wait3A_380 = tpu.memref_slice %arg5[%dma_wait3A_372, %dma_wait3A_379] : memref<200x128xi32, #tpu.memory_space<vmem>> -> memref<1x128xi32, #tpu.memory_space<vmem>>
      %dma_wait3A_381 = tpu.memref_squeeze %dma_wait3A_380 : memref<1x128xi32, #tpu.memory_space<vmem>> -> memref<128xi32, #tpu.memory_space<vmem>>
      %dma_wait3A_382 = arith.constant 0 : i32
      %dma_wait3A_383 = arith.constant 0 : i32
      %dma_wait3A_384 = tpu.memref_slice %arg3[%dma_wait3A_382, %dma_wait3A_383] : memref<1000000x32xf32, #tpu.memory_space<hbm>> -> memref<1000000x32xf32, #tpu.memory_space<hbm>>
      tpu.wait_indirect_dma semaphore(%arg7 : memref<!tpu.dma_semaphore, #tpu.memory_space<semaphore_mem>>) src(%dma_wait3A_384 : memref<1000000x32xf32, #tpu.memory_space<hbm>>) dst(%dma_wait3A_378 : memref<128x32xf32, #tpu.memory_space<vmem>>)
      %dma_wait3A_385 = arith.constant 5 : i32
      %dma_wait3A_386 = arith.constant 0 : i32
      %dma_wait3A_387 = arith.constant 5 : i32
      %dma_wait3A_388 = arith.constant 0 : i32
      %dma_wait3A_389 = arith.constant 0 : i32
      %dma_wait3A_390 = tpu.memref_slice %arg6[%dma_wait3A_386, %dma_wait3A_387, %dma_wait3A_388, %dma_wait3A_389] : memref<2x10x128x32xf32, #tpu.memory_space<vmem>> -> memref<1x1x128x32xf32, #tpu.memory_space<vmem>>
      %dma_wait3A_391 = tpu.memref_squeeze %dma_wait3A_390 : memref<1x1x128x32xf32, #tpu.memory_space<vmem>> -> memref<128x32xf32, #tpu.memory_space<vmem>>
      %dma_wait3A_392 = arith.constant 0 : i32
      %dma_wait3A_393 = tpu.memref_slice %arg5[%dma_wait3A_385, %dma_wait3A_392] : memref<200x128xi32, #tpu.memory_space<vmem>> -> memref<1x128xi32, #tpu.memory_space<vmem>>
      %dma_wait3A_394 = tpu.memref_squeeze %dma_wait3A_393 : memref<1x128xi32, #tpu.memory_space<vmem>> -> memref<128xi32, #tpu.memory_space<vmem>>
      %dma_wait3A_395 = arith.constant 0 : i32
      %dma_wait3A_396 = arith.constant 0 : i32
      %dma_wait3A_397 = tpu.memref_slice %arg3[%dma_wait3A_395, %dma_wait3A_396] : memref<1000000x32xf32, #tpu.memory_space<hbm>> -> memref<1000000x32xf32, #tpu.memory_space<hbm>>
      tpu.wait_indirect_dma semaphore(%arg7 : memref<!tpu.dma_semaphore, #tpu.memory_space<semaphore_mem>>) src(%dma_wait3A_397 : memref<1000000x32xf32, #tpu.memory_space<hbm>>) dst(%dma_wait3A_391 : memref<128x32xf32, #tpu.memory_space<vmem>>)
      %dma_wait3A_398 = arith.constant 6 : i32
      %dma_wait3A_399 = arith.constant 0 : i32
      %dma_wait3A_400 = arith.constant 6 : i32
      %dma_wait3A_401 = arith.constant 0 : i32
      %dma_wait3A_402 = arith.constant 0 : i32
      %dma_wait3A_403 = tpu.memref_slice %arg6[%dma_wait3A_399, %dma_wait3A_400, %dma_wait3A_401, %dma_wait3A_402] : memref<2x10x128x32xf32, #tpu.memory_space<vmem>> -> memref<1x1x128x32xf32, #tpu.memory_space<vmem>>
      %dma_wait3A_404 = tpu.memref_squeeze %dma_wait3A_403 : memref<1x1x128x32xf32, #tpu.memory_space<vmem>> -> memref<128x32xf32, #tpu.memory_space<vmem>>
      %dma_wait3A_405 = arith.constant 0 : i32
      %dma_wait3A_406 = tpu.memref_slice %arg5[%dma_wait3A_398, %dma_wait3A_405] : memref<200x128xi32, #tpu.memory_space<vmem>> -> memref<1x128xi32, #tpu.memory_space<vmem>>
      %dma_wait3A_407 = tpu.memref_squeeze %dma_wait3A_406 : memref<1x128xi32, #tpu.memory_space<vmem>> -> memref<128xi32, #tpu.memory_space<vmem>>
      %dma_wait3A_408 = arith.constant 0 : i32
      %dma_wait3A_409 = arith.constant 0 : i32
      %dma_wait3A_410 = tpu.memref_slice %arg3[%dma_wait3A_408, %dma_wait3A_409] : memref<1000000x32xf32, #tpu.memory_space<hbm>> -> memref<1000000x32xf32, #tpu.memory_space<hbm>>
      tpu.wait_indirect_dma semaphore(%arg7 : memref<!tpu.dma_semaphore, #tpu.memory_space<semaphore_mem>>) src(%dma_wait3A_410 : memref<1000000x32xf32, #tpu.memory_space<hbm>>) dst(%dma_wait3A_404 : memref<128x32xf32, #tpu.memory_space<vmem>>)
      %dma_wait3A_411 = arith.constant 7 : i32
      %dma_wait3A_412 = arith.constant 0 : i32
      %dma_wait3A_413 = arith.constant 7 : i32
      %dma_wait3A_414 = arith.constant 0 : i32
      %dma_wait3A_415 = arith.constant 0 : i32
      %dma_wait3A_416 = tpu.memref_slice %arg6[%dma_wait3A_412, %dma_wait3A_413, %dma_wait3A_414, %dma_wait3A_415] : memref<2x10x128x32xf32, #tpu.memory_space<vmem>> -> memref<1x1x128x32xf32, #tpu.memory_space<vmem>>
      %dma_wait3A_417 = tpu.memref_squeeze %dma_wait3A_416 : memref<1x1x128x32xf32, #tpu.memory_space<vmem>> -> memref<128x32xf32, #tpu.memory_space<vmem>>
      %dma_wait3A_418 = arith.constant 0 : i32
      %dma_wait3A_419 = tpu.memref_slice %arg5[%dma_wait3A_411, %dma_wait3A_418] : memref<200x128xi32, #tpu.memory_space<vmem>> -> memref<1x128xi32, #tpu.memory_space<vmem>>
      %dma_wait3A_420 = tpu.memref_squeeze %dma_wait3A_419 : memref<1x128xi32, #tpu.memory_space<vmem>> -> memref<128xi32, #tpu.memory_space<vmem>>
      %dma_wait3A_421 = arith.constant 0 : i32
      %dma_wait3A_422 = arith.constant 0 : i32
      %dma_wait3A_423 = tpu.memref_slice %arg3[%dma_wait3A_421, %dma_wait3A_422] : memref<1000000x32xf32, #tpu.memory_space<hbm>> -> memref<1000000x32xf32, #tpu.memory_space<hbm>>
      tpu.wait_indirect_dma semaphore(%arg7 : memref<!tpu.dma_semaphore, #tpu.memory_space<semaphore_mem>>) src(%dma_wait3A_423 : memref<1000000x32xf32, #tpu.memory_space<hbm>>) dst(%dma_wait3A_417 : memref<128x32xf32, #tpu.memory_space<vmem>>)
      %dma_wait3A_424 = arith.constant 8 : i32
      %dma_wait3A_425 = arith.constant 0 : i32
      %dma_wait3A_426 = arith.constant 8 : i32
      %dma_wait3A_427 = arith.constant 0 : i32
      %dma_wait3A_428 = arith.constant 0 : i32
      %dma_wait3A_429 = tpu.memref_slice %arg6[%dma_wait3A_425, %dma_wait3A_426, %dma_wait3A_427, %dma_wait3A_428] : memref<2x10x128x32xf32, #tpu.memory_space<vmem>> -> memref<1x1x128x32xf32, #tpu.memory_space<vmem>>
      %dma_wait3A_430 = tpu.memref_squeeze %dma_wait3A_429 : memref<1x1x128x32xf32, #tpu.memory_space<vmem>> -> memref<128x32xf32, #tpu.memory_space<vmem>>
      %dma_wait3A_431 = arith.constant 0 : i32
      %dma_wait3A_432 = tpu.memref_slice %arg5[%dma_wait3A_424, %dma_wait3A_431] : memref<200x128xi32, #tpu.memory_space<vmem>> -> memref<1x128xi32, #tpu.memory_space<vmem>>
      %dma_wait3A_433 = tpu.memref_squeeze %dma_wait3A_432 : memref<1x128xi32, #tpu.memory_space<vmem>> -> memref<128xi32, #tpu.memory_space<vmem>>
      %dma_wait3A_434 = arith.constant 0 : i32
      %dma_wait3A_435 = arith.constant 0 : i32
      %dma_wait3A_436 = tpu.memref_slice %arg3[%dma_wait3A_434, %dma_wait3A_435] : memref<1000000x32xf32, #tpu.memory_space<hbm>> -> memref<1000000x32xf32, #tpu.memory_space<hbm>>
      tpu.wait_indirect_dma semaphore(%arg7 : memref<!tpu.dma_semaphore, #tpu.memory_space<semaphore_mem>>) src(%dma_wait3A_436 : memref<1000000x32xf32, #tpu.memory_space<hbm>>) dst(%dma_wait3A_430 : memref<128x32xf32, #tpu.memory_space<vmem>>)
      %dma_wait3A_437 = arith.constant 9 : i32
      %dma_wait3A_438 = arith.constant 0 : i32
      %dma_wait3A_439 = arith.constant 9 : i32
      %dma_wait3A_440 = arith.constant 0 : i32
      %dma_wait3A_441 = arith.constant 0 : i32
      %dma_wait3A_442 = tpu.memref_slice %arg6[%dma_wait3A_438, %dma_wait3A_439, %dma_wait3A_440, %dma_wait3A_441] : memref<2x10x128x32xf32, #tpu.memory_space<vmem>> -> memref<1x1x128x32xf32, #tpu.memory_space<vmem>>
      %dma_wait3A_443 = tpu.memref_squeeze %dma_wait3A_442 : memref<1x1x128x32xf32, #tpu.memory_space<vmem>> -> memref<128x32xf32, #tpu.memory_space<vmem>>
      %dma_wait3A_444 = arith.constant 0 : i32
      %dma_wait3A_445 = tpu.memref_slice %arg5[%dma_wait3A_437, %dma_wait3A_444] : memref<200x128xi32, #tpu.memory_space<vmem>> -> memref<1x128xi32, #tpu.memory_space<vmem>>
      %dma_wait3A_446 = tpu.memref_squeeze %dma_wait3A_445 : memref<1x128xi32, #tpu.memory_space<vmem>> -> memref<128xi32, #tpu.memory_space<vmem>>
      %dma_wait3A_447 = arith.constant 0 : i32
      %dma_wait3A_448 = arith.constant 0 : i32
      %dma_wait3A_449 = tpu.memref_slice %arg3[%dma_wait3A_447, %dma_wait3A_448] : memref<1000000x32xf32, #tpu.memory_space<hbm>> -> memref<1000000x32xf32, #tpu.memory_space<hbm>>
      tpu.wait_indirect_dma semaphore(%arg7 : memref<!tpu.dma_semaphore, #tpu.memory_space<semaphore_mem>>) src(%dma_wait3A_449 : memref<1000000x32xf32, #tpu.memory_space<hbm>>) dst(%dma_wait3A_443 : memref<128x32xf32, #tpu.memory_space<vmem>>)
      %mul3A_450 = arith.constant 10 : i32
      %mul3A_451 = arith.muli %mul3A_155, %mul3A_450 : i32
      %add3A_452 = arith.addi %mul3A_2, %mul3A_451 : i32
      %dma_start3A_453 = arith.constant 0 : i32
      %dma_start3A_454 = arith.constant 0 : i32
      %dma_start3A_455 = arith.constant 0 : i32
      %dma_start3A_456 = arith.constant 0 : i32
      %dma_start3A_457 = tpu.memref_slice %arg6[%dma_start3A_453, %dma_start3A_454, %dma_start3A_455, %dma_start3A_456] : memref<2x10x128x32xf32, #tpu.memory_space<vmem>> -> memref<1x10x128x32xf32, #tpu.memory_space<vmem>>
      %dma_start3A_458 = tpu.memref_squeeze %dma_start3A_457 : memref<1x10x128x32xf32, #tpu.memory_space<vmem>> -> memref<10x128x32xf32, #tpu.memory_space<vmem>>
      %dma_start3A_459 = arith.constant 0 : i32
      %dma_start3A_460 = arith.constant 0 : i32
      %dma_start3A_461 = tpu.memref_slice %arg4[%add3A_452, %dma_start3A_459, %dma_start3A_460] : memref<6400x128x32xf32, #tpu.memory_space<hbm>> -> memref<10x128x32xf32, #tpu.memory_space<hbm>>
      %dma_start3A_462 = arith.constant 0 : i32
      %dma_start3A_463 = arith.constant 0 : i32
      %dma_start3A_464 = tpu.memref_slice %arg4[%add3A_452, %dma_start3A_462, %dma_start3A_463] : memref<6400x128x32xf32, #tpu.memory_space<hbm>> -> memref<10x128x32xf32, #tpu.memory_space<hbm>>
      %dma_start3A_465 = arith.constant 0 : i32
      %dma_start3A_466 = arith.constant 0 : i32
      %dma_start3A_467 = arith.constant 0 : i32
      %dma_start3A_468 = tpu.memref_slice %arg6[%dma_start3A_453, %dma_start3A_465, %dma_start3A_466, %dma_start3A_467] : memref<2x10x128x32xf32, #tpu.memory_space<vmem>> -> memref<1x10x128x32xf32, #tpu.memory_space<vmem>>
      %dma_start3A_469 = tpu.memref_squeeze %dma_start3A_468 : memref<1x10x128x32xf32, #tpu.memory_space<vmem>> -> memref<10x128x32xf32, #tpu.memory_space<vmem>>
      tpu.enqueue_dma source(%dma_start3A_469 : memref<10x128x32xf32, #tpu.memory_space<vmem>>) target(%dma_start3A_464 : memref<10x128x32xf32, #tpu.memory_space<hbm>>) target_semaphore(%arg9 : memref<!tpu.dma_semaphore, #tpu.memory_space<semaphore_mem>>)
      %dma_wait3A_470 = arith.constant 0 : i32
      %dma_wait3A_471 = arith.constant 0 : i32
      %dma_wait3A_472 = arith.constant 0 : i32
      %dma_wait3A_473 = arith.constant 0 : i32
      %dma_wait3A_474 = tpu.memref_slice %arg6[%dma_wait3A_470, %dma_wait3A_471, %dma_wait3A_472, %dma_wait3A_473] : memref<2x10x128x32xf32, #tpu.memory_space<vmem>> -> memref<1x10x128x32xf32, #tpu.memory_space<vmem>>
      %dma_wait3A_475 = tpu.memref_squeeze %dma_wait3A_474 : memref<1x10x128x32xf32, #tpu.memory_space<vmem>> -> memref<10x128x32xf32, #tpu.memory_space<vmem>>
      %dma_wait3A_476 = arith.constant 0 : i32
      %dma_wait3A_477 = arith.constant 0 : i32
      %dma_wait3A_478 = tpu.memref_slice %arg4[%mul3A_2, %dma_wait3A_476, %dma_wait3A_477] : memref<6400x128x32xf32, #tpu.memory_space<hbm>> -> memref<10x128x32xf32, #tpu.memory_space<hbm>>
      %dma_wait3A_479 = arith.constant 0 : i32
      %dma_wait3A_480 = arith.constant 0 : i32
      %dma_wait3A_481 = tpu.memref_slice %arg4[%mul3A_2, %dma_wait3A_479, %dma_wait3A_480] : memref<6400x128x32xf32, #tpu.memory_space<hbm>> -> memref<10x128x32xf32, #tpu.memory_space<hbm>>
      %dma_wait3A_482 = arith.constant 0 : i32
      %dma_wait3A_483 = arith.constant 0 : i32
      %dma_wait3A_484 = arith.constant 0 : i32
      %dma_wait3A_485 = tpu.memref_slice %arg6[%dma_wait3A_470, %dma_wait3A_482, %dma_wait3A_483, %dma_wait3A_484] : memref<2x10x128x32xf32, #tpu.memory_space<vmem>> -> memref<1x10x128x32xf32, #tpu.memory_space<vmem>>
      %dma_wait3A_486 = tpu.memref_squeeze %dma_wait3A_485 : memref<1x10x128x32xf32, #tpu.memory_space<vmem>> -> memref<10x128x32xf32, #tpu.memory_space<vmem>>
      tpu.wait_dma2 semaphore(%arg9 : memref<!tpu.dma_semaphore, #tpu.memory_space<semaphore_mem>>) src(%dma_wait3A_486 : memref<10x128x32xf32, #tpu.memory_space<vmem>>) dst(%dma_wait3A_481 : memref<10x128x32xf32, #tpu.memory_space<hbm>>)
      %lt3A = arith.constant 9 : i32
      %lt3A_487 = arith.cmpi slt, %scan3A_153, %lt3A : i32
      %convert_element_type3A_488 = arith.extui %lt3A_487 : i1 to i32
      %cond3A_489 = arith.constant 0 : i32
      %cond3A_490 = arith.cmpi ne, %convert_element_type3A_488, %cond3A_489 : i32
      scf.if %cond3A_490 {
        %add3A_643 = arith.constant 2 : i32
        %add3A_644 = arith.addi %mul3A_155, %add3A_643 : i32
        %mul3A_645 = arith.constant 10 : i32
        %mul3A_646 = arith.muli %add3A_644, %mul3A_645 : i32
        %add3A_647 = arith.constant 0 : i32
        %add3A_648 = arith.addi %mul3A_646, %add3A_647 : i32
        %dma_start3A_649 = arith.constant 0 : i32
        %dma_start3A_650 = arith.constant 0 : i32
        %dma_start3A_651 = arith.constant 0 : i32
        %dma_start3A_652 = arith.constant 0 : i32
        %dma_start3A_653 = tpu.memref_slice %arg6[%dma_start3A_649, %dma_start3A_650, %dma_start3A_651, %dma_start3A_652] : memref<2x10x128x32xf32, #tpu.memory_space<vmem>> -> memref<1x1x128x32xf32, #tpu.memory_space<vmem>>
        %dma_start3A_654 = tpu.memref_squeeze %dma_start3A_653 : memref<1x1x128x32xf32, #tpu.memory_space<vmem>> -> memref<128x32xf32, #tpu.memory_space<vmem>>
        %dma_start3A_655 = arith.constant 0 : i32
        %dma_start3A_656 = tpu.memref_slice %arg5[%add3A_648, %dma_start3A_655] : memref<200x128xi32, #tpu.memory_space<vmem>> -> memref<1x128xi32, #tpu.memory_space<vmem>>
        %dma_start3A_657 = tpu.memref_squeeze %dma_start3A_656 : memref<1x128xi32, #tpu.memory_space<vmem>> -> memref<128xi32, #tpu.memory_space<vmem>>
        %dma_start3A_658 = arith.constant 0 : i32
        %dma_start3A_659 = arith.constant 0 : i32
        %dma_start3A_660 = tpu.memref_slice %arg3[%dma_start3A_658, %dma_start3A_659] : memref<1000000x32xf32, #tpu.memory_space<hbm>> -> memref<1000000x32xf32, #tpu.memory_space<hbm>>
        tpu.enqueue_indirect_dma source(%dma_start3A_660 : memref<1000000x32xf32, #tpu.memory_space<hbm>>) target(%dma_start3A_654 : memref<128x32xf32, #tpu.memory_space<vmem>>) offsets(%dma_start3A_657 : memref<128xi32, #tpu.memory_space<vmem>>) semaphore(%arg7 : memref<!tpu.dma_semaphore, #tpu.memory_space<semaphore_mem>>)
        %mul3A_661 = arith.constant 10 : i32
        %mul3A_662 = arith.muli %add3A_644, %mul3A_661 : i32
        %add3A_663 = arith.constant 1 : i32
        %add3A_664 = arith.addi %mul3A_662, %add3A_663 : i32
        %dma_start3A_665 = arith.constant 0 : i32
        %dma_start3A_666 = arith.constant 1 : i32
        %dma_start3A_667 = arith.constant 0 : i32
        %dma_start3A_668 = arith.constant 0 : i32
        %dma_start3A_669 = tpu.memref_slice %arg6[%dma_start3A_665, %dma_start3A_666, %dma_start3A_667, %dma_start3A_668] : memref<2x10x128x32xf32, #tpu.memory_space<vmem>> -> memref<1x1x128x32xf32, #tpu.memory_space<vmem>>
        %dma_start3A_670 = tpu.memref_squeeze %dma_start3A_669 : memref<1x1x128x32xf32, #tpu.memory_space<vmem>> -> memref<128x32xf32, #tpu.memory_space<vmem>>
        %dma_start3A_671 = arith.constant 0 : i32
        %dma_start3A_672 = tpu.memref_slice %arg5[%add3A_664, %dma_start3A_671] : memref<200x128xi32, #tpu.memory_space<vmem>> -> memref<1x128xi32, #tpu.memory_space<vmem>>
        %dma_start3A_673 = tpu.memref_squeeze %dma_start3A_672 : memref<1x128xi32, #tpu.memory_space<vmem>> -> memref<128xi32, #tpu.memory_space<vmem>>
        %dma_start3A_674 = arith.constant 0 : i32
        %dma_start3A_675 = arith.constant 0 : i32
        %dma_start3A_676 = tpu.memref_slice %arg3[%dma_start3A_674, %dma_start3A_675] : memref<1000000x32xf32, #tpu.memory_space<hbm>> -> memref<1000000x32xf32, #tpu.memory_space<hbm>>
        tpu.enqueue_indirect_dma source(%dma_start3A_676 : memref<1000000x32xf32, #tpu.memory_space<hbm>>) target(%dma_start3A_670 : memref<128x32xf32, #tpu.memory_space<vmem>>) offsets(%dma_start3A_673 : memref<128xi32, #tpu.memory_space<vmem>>) semaphore(%arg7 : memref<!tpu.dma_semaphore, #tpu.memory_space<semaphore_mem>>)
        %mul3A_677 = arith.constant 10 : i32
        %mul3A_678 = arith.muli %add3A_644, %mul3A_677 : i32
        %add3A_679 = arith.constant 2 : i32
        %add3A_680 = arith.addi %mul3A_678, %add3A_679 : i32
        %dma_start3A_681 = arith.constant 0 : i32
        %dma_start3A_682 = arith.constant 2 : i32
        %dma_start3A_683 = arith.constant 0 : i32
        %dma_start3A_684 = arith.constant 0 : i32
        %dma_start3A_685 = tpu.memref_slice %arg6[%dma_start3A_681, %dma_start3A_682, %dma_start3A_683, %dma_start3A_684] : memref<2x10x128x32xf32, #tpu.memory_space<vmem>> -> memref<1x1x128x32xf32, #tpu.memory_space<vmem>>
        %dma_start3A_686 = tpu.memref_squeeze %dma_start3A_685 : memref<1x1x128x32xf32, #tpu.memory_space<vmem>> -> memref<128x32xf32, #tpu.memory_space<vmem>>
        %dma_start3A_687 = arith.constant 0 : i32
        %dma_start3A_688 = tpu.memref_slice %arg5[%add3A_680, %dma_start3A_687] : memref<200x128xi32, #tpu.memory_space<vmem>> -> memref<1x128xi32, #tpu.memory_space<vmem>>
        %dma_start3A_689 = tpu.memref_squeeze %dma_start3A_688 : memref<1x128xi32, #tpu.memory_space<vmem>> -> memref<128xi32, #tpu.memory_space<vmem>>
        %dma_start3A_690 = arith.constant 0 : i32
        %dma_start3A_691 = arith.constant 0 : i32
        %dma_start3A_692 = tpu.memref_slice %arg3[%dma_start3A_690, %dma_start3A_691] : memref<1000000x32xf32, #tpu.memory_space<hbm>> -> memref<1000000x32xf32, #tpu.memory_space<hbm>>
        tpu.enqueue_indirect_dma source(%dma_start3A_692 : memref<1000000x32xf32, #tpu.memory_space<hbm>>) target(%dma_start3A_686 : memref<128x32xf32, #tpu.memory_space<vmem>>) offsets(%dma_start3A_689 : memref<128xi32, #tpu.memory_space<vmem>>) semaphore(%arg7 : memref<!tpu.dma_semaphore, #tpu.memory_space<semaphore_mem>>)
        %mul3A_693 = arith.constant 10 : i32
        %mul3A_694 = arith.muli %add3A_644, %mul3A_693 : i32
        %add3A_695 = arith.constant 3 : i32
        %add3A_696 = arith.addi %mul3A_694, %add3A_695 : i32
        %dma_start3A_697 = arith.constant 0 : i32
        %dma_start3A_698 = arith.constant 3 : i32
        %dma_start3A_699 = arith.constant 0 : i32
        %dma_start3A_700 = arith.constant 0 : i32
        %dma_start3A_701 = tpu.memref_slice %arg6[%dma_start3A_697, %dma_start3A_698, %dma_start3A_699, %dma_start3A_700] : memref<2x10x128x32xf32, #tpu.memory_space<vmem>> -> memref<1x1x128x32xf32, #tpu.memory_space<vmem>>
        %dma_start3A_702 = tpu.memref_squeeze %dma_start3A_701 : memref<1x1x128x32xf32, #tpu.memory_space<vmem>> -> memref<128x32xf32, #tpu.memory_space<vmem>>
        %dma_start3A_703 = arith.constant 0 : i32
        %dma_start3A_704 = tpu.memref_slice %arg5[%add3A_696, %dma_start3A_703] : memref<200x128xi32, #tpu.memory_space<vmem>> -> memref<1x128xi32, #tpu.memory_space<vmem>>
        %dma_start3A_705 = tpu.memref_squeeze %dma_start3A_704 : memref<1x128xi32, #tpu.memory_space<vmem>> -> memref<128xi32, #tpu.memory_space<vmem>>
        %dma_start3A_706 = arith.constant 0 : i32
        %dma_start3A_707 = arith.constant 0 : i32
        %dma_start3A_708 = tpu.memref_slice %arg3[%dma_start3A_706, %dma_start3A_707] : memref<1000000x32xf32, #tpu.memory_space<hbm>> -> memref<1000000x32xf32, #tpu.memory_space<hbm>>
        tpu.enqueue_indirect_dma source(%dma_start3A_708 : memref<1000000x32xf32, #tpu.memory_space<hbm>>) target(%dma_start3A_702 : memref<128x32xf32, #tpu.memory_space<vmem>>) offsets(%dma_start3A_705 : memref<128xi32, #tpu.memory_space<vmem>>) semaphore(%arg7 : memref<!tpu.dma_semaphore, #tpu.memory_space<semaphore_mem>>)
        %mul3A_709 = arith.constant 10 : i32
        %mul3A_710 = arith.muli %add3A_644, %mul3A_709 : i32
        %add3A_711 = arith.constant 4 : i32
        %add3A_712 = arith.addi %mul3A_710, %add3A_711 : i32
        %dma_start3A_713 = arith.constant 0 : i32
        %dma_start3A_714 = arith.constant 4 : i32
        %dma_start3A_715 = arith.constant 0 : i32
        %dma_start3A_716 = arith.constant 0 : i32
        %dma_start3A_717 = tpu.memref_slice %arg6[%dma_start3A_713, %dma_start3A_714, %dma_start3A_715, %dma_start3A_716] : memref<2x10x128x32xf32, #tpu.memory_space<vmem>> -> memref<1x1x128x32xf32, #tpu.memory_space<vmem>>
        %dma_start3A_718 = tpu.memref_squeeze %dma_start3A_717 : memref<1x1x128x32xf32, #tpu.memory_space<vmem>> -> memref<128x32xf32, #tpu.memory_space<vmem>>
        %dma_start3A_719 = arith.constant 0 : i32
        %dma_start3A_720 = tpu.memref_slice %arg5[%add3A_712, %dma_start3A_719] : memref<200x128xi32, #tpu.memory_space<vmem>> -> memref<1x128xi32, #tpu.memory_space<vmem>>
        %dma_start3A_721 = tpu.memref_squeeze %dma_start3A_720 : memref<1x128xi32, #tpu.memory_space<vmem>> -> memref<128xi32, #tpu.memory_space<vmem>>
        %dma_start3A_722 = arith.constant 0 : i32
        %dma_start3A_723 = arith.constant 0 : i32
        %dma_start3A_724 = tpu.memref_slice %arg3[%dma_start3A_722, %dma_start3A_723] : memref<1000000x32xf32, #tpu.memory_space<hbm>> -> memref<1000000x32xf32, #tpu.memory_space<hbm>>
        tpu.enqueue_indirect_dma source(%dma_start3A_724 : memref<1000000x32xf32, #tpu.memory_space<hbm>>) target(%dma_start3A_718 : memref<128x32xf32, #tpu.memory_space<vmem>>) offsets(%dma_start3A_721 : memref<128xi32, #tpu.memory_space<vmem>>) semaphore(%arg7 : memref<!tpu.dma_semaphore, #tpu.memory_space<semaphore_mem>>)
        %mul3A_725 = arith.constant 10 : i32
        %mul3A_726 = arith.muli %add3A_644, %mul3A_725 : i32
        %add3A_727 = arith.constant 5 : i32
        %add3A_728 = arith.addi %mul3A_726, %add3A_727 : i32
        %dma_start3A_729 = arith.constant 0 : i32
        %dma_start3A_730 = arith.constant 5 : i32
        %dma_start3A_731 = arith.constant 0 : i32
        %dma_start3A_732 = arith.constant 0 : i32
        %dma_start3A_733 = tpu.memref_slice %arg6[%dma_start3A_729, %dma_start3A_730, %dma_start3A_731, %dma_start3A_732] : memref<2x10x128x32xf32, #tpu.memory_space<vmem>> -> memref<1x1x128x32xf32, #tpu.memory_space<vmem>>
        %dma_start3A_734 = tpu.memref_squeeze %dma_start3A_733 : memref<1x1x128x32xf32, #tpu.memory_space<vmem>> -> memref<128x32xf32, #tpu.memory_space<vmem>>
        %dma_start3A_735 = arith.constant 0 : i32
        %dma_start3A_736 = tpu.memref_slice %arg5[%add3A_728, %dma_start3A_735] : memref<200x128xi32, #tpu.memory_space<vmem>> -> memref<1x128xi32, #tpu.memory_space<vmem>>
        %dma_start3A_737 = tpu.memref_squeeze %dma_start3A_736 : memref<1x128xi32, #tpu.memory_space<vmem>> -> memref<128xi32, #tpu.memory_space<vmem>>
        %dma_start3A_738 = arith.constant 0 : i32
        %dma_start3A_739 = arith.constant 0 : i32
        %dma_start3A_740 = tpu.memref_slice %arg3[%dma_start3A_738, %dma_start3A_739] : memref<1000000x32xf32, #tpu.memory_space<hbm>> -> memref<1000000x32xf32, #tpu.memory_space<hbm>>
        tpu.enqueue_indirect_dma source(%dma_start3A_740 : memref<1000000x32xf32, #tpu.memory_space<hbm>>) target(%dma_start3A_734 : memref<128x32xf32, #tpu.memory_space<vmem>>) offsets(%dma_start3A_737 : memref<128xi32, #tpu.memory_space<vmem>>) semaphore(%arg7 : memref<!tpu.dma_semaphore, #tpu.memory_space<semaphore_mem>>)
        %mul3A_741 = arith.constant 10 : i32
        %mul3A_742 = arith.muli %add3A_644, %mul3A_741 : i32
        %add3A_743 = arith.constant 6 : i32
        %add3A_744 = arith.addi %mul3A_742, %add3A_743 : i32
        %dma_start3A_745 = arith.constant 0 : i32
        %dma_start3A_746 = arith.constant 6 : i32
        %dma_start3A_747 = arith.constant 0 : i32
        %dma_start3A_748 = arith.constant 0 : i32
        %dma_start3A_749 = tpu.memref_slice %arg6[%dma_start3A_745, %dma_start3A_746, %dma_start3A_747, %dma_start3A_748] : memref<2x10x128x32xf32, #tpu.memory_space<vmem>> -> memref<1x1x128x32xf32, #tpu.memory_space<vmem>>
        %dma_start3A_750 = tpu.memref_squeeze %dma_start3A_749 : memref<1x1x128x32xf32, #tpu.memory_space<vmem>> -> memref<128x32xf32, #tpu.memory_space<vmem>>
        %dma_start3A_751 = arith.constant 0 : i32
        %dma_start3A_752 = tpu.memref_slice %arg5[%add3A_744, %dma_start3A_751] : memref<200x128xi32, #tpu.memory_space<vmem>> -> memref<1x128xi32, #tpu.memory_space<vmem>>
        %dma_start3A_753 = tpu.memref_squeeze %dma_start3A_752 : memref<1x128xi32, #tpu.memory_space<vmem>> -> memref<128xi32, #tpu.memory_space<vmem>>
        %dma_start3A_754 = arith.constant 0 : i32
        %dma_start3A_755 = arith.constant 0 : i32
        %dma_start3A_756 = tpu.memref_slice %arg3[%dma_start3A_754, %dma_start3A_755] : memref<1000000x32xf32, #tpu.memory_space<hbm>> -> memref<1000000x32xf32, #tpu.memory_space<hbm>>
        tpu.enqueue_indirect_dma source(%dma_start3A_756 : memref<1000000x32xf32, #tpu.memory_space<hbm>>) target(%dma_start3A_750 : memref<128x32xf32, #tpu.memory_space<vmem>>) offsets(%dma_start3A_753 : memref<128xi32, #tpu.memory_space<vmem>>) semaphore(%arg7 : memref<!tpu.dma_semaphore, #tpu.memory_space<semaphore_mem>>)
        %mul3A_757 = arith.constant 10 : i32
        %mul3A_758 = arith.muli %add3A_644, %mul3A_757 : i32
        %add3A_759 = arith.constant 7 : i32
        %add3A_760 = arith.addi %mul3A_758, %add3A_759 : i32
        %dma_start3A_761 = arith.constant 0 : i32
        %dma_start3A_762 = arith.constant 7 : i32
        %dma_start3A_763 = arith.constant 0 : i32
        %dma_start3A_764 = arith.constant 0 : i32
        %dma_start3A_765 = tpu.memref_slice %arg6[%dma_start3A_761, %dma_start3A_762, %dma_start3A_763, %dma_start3A_764] : memref<2x10x128x32xf32, #tpu.memory_space<vmem>> -> memref<1x1x128x32xf32, #tpu.memory_space<vmem>>
        %dma_start3A_766 = tpu.memref_squeeze %dma_start3A_765 : memref<1x1x128x32xf32, #tpu.memory_space<vmem>> -> memref<128x32xf32, #tpu.memory_space<vmem>>
        %dma_start3A_767 = arith.constant 0 : i32
        %dma_start3A_768 = tpu.memref_slice %arg5[%add3A_760, %dma_start3A_767] : memref<200x128xi32, #tpu.memory_space<vmem>> -> memref<1x128xi32, #tpu.memory_space<vmem>>
        %dma_start3A_769 = tpu.memref_squeeze %dma_start3A_768 : memref<1x128xi32, #tpu.memory_space<vmem>> -> memref<128xi32, #tpu.memory_space<vmem>>
        %dma_start3A_770 = arith.constant 0 : i32
        %dma_start3A_771 = arith.constant 0 : i32
        %dma_start3A_772 = tpu.memref_slice %arg3[%dma_start3A_770, %dma_start3A_771] : memref<1000000x32xf32, #tpu.memory_space<hbm>> -> memref<1000000x32xf32, #tpu.memory_space<hbm>>
        tpu.enqueue_indirect_dma source(%dma_start3A_772 : memref<1000000x32xf32, #tpu.memory_space<hbm>>) target(%dma_start3A_766 : memref<128x32xf32, #tpu.memory_space<vmem>>) offsets(%dma_start3A_769 : memref<128xi32, #tpu.memory_space<vmem>>) semaphore(%arg7 : memref<!tpu.dma_semaphore, #tpu.memory_space<semaphore_mem>>)
        %mul3A_773 = arith.constant 10 : i32
        %mul3A_774 = arith.muli %add3A_644, %mul3A_773 : i32
        %add3A_775 = arith.constant 8 : i32
        %add3A_776 = arith.addi %mul3A_774, %add3A_775 : i32
        %dma_start3A_777 = arith.constant 0 : i32
        %dma_start3A_778 = arith.constant 8 : i32
        %dma_start3A_779 = arith.constant 0 : i32
        %dma_start3A_780 = arith.constant 0 : i32
        %dma_start3A_781 = tpu.memref_slice %arg6[%dma_start3A_777, %dma_start3A_778, %dma_start3A_779, %dma_start3A_780] : memref<2x10x128x32xf32, #tpu.memory_space<vmem>> -> memref<1x1x128x32xf32, #tpu.memory_space<vmem>>
        %dma_start3A_782 = tpu.memref_squeeze %dma_start3A_781 : memref<1x1x128x32xf32, #tpu.memory_space<vmem>> -> memref<128x32xf32, #tpu.memory_space<vmem>>
        %dma_start3A_783 = arith.constant 0 : i32
        %dma_start3A_784 = tpu.memref_slice %arg5[%add3A_776, %dma_start3A_783] : memref<200x128xi32, #tpu.memory_space<vmem>> -> memref<1x128xi32, #tpu.memory_space<vmem>>
        %dma_start3A_785 = tpu.memref_squeeze %dma_start3A_784 : memref<1x128xi32, #tpu.memory_space<vmem>> -> memref<128xi32, #tpu.memory_space<vmem>>
        %dma_start3A_786 = arith.constant 0 : i32
        %dma_start3A_787 = arith.constant 0 : i32
        %dma_start3A_788 = tpu.memref_slice %arg3[%dma_start3A_786, %dma_start3A_787] : memref<1000000x32xf32, #tpu.memory_space<hbm>> -> memref<1000000x32xf32, #tpu.memory_space<hbm>>
        tpu.enqueue_indirect_dma source(%dma_start3A_788 : memref<1000000x32xf32, #tpu.memory_space<hbm>>) target(%dma_start3A_782 : memref<128x32xf32, #tpu.memory_space<vmem>>) offsets(%dma_start3A_785 : memref<128xi32, #tpu.memory_space<vmem>>) semaphore(%arg7 : memref<!tpu.dma_semaphore, #tpu.memory_space<semaphore_mem>>)
        %mul3A_789 = arith.constant 10 : i32
        %mul3A_790 = arith.muli %add3A_644, %mul3A_789 : i32
        %add3A_791 = arith.constant 9 : i32
        %add3A_792 = arith.addi %mul3A_790, %add3A_791 : i32
        %dma_start3A_793 = arith.constant 0 : i32
        %dma_start3A_794 = arith.constant 9 : i32
        %dma_start3A_795 = arith.constant 0 : i32
        %dma_start3A_796 = arith.constant 0 : i32
        %dma_start3A_797 = tpu.memref_slice %arg6[%dma_start3A_793, %dma_start3A_794, %dma_start3A_795, %dma_start3A_796] : memref<2x10x128x32xf32, #tpu.memory_space<vmem>> -> memref<1x1x128x32xf32, #tpu.memory_space<vmem>>
        %dma_start3A_798 = tpu.memref_squeeze %dma_start3A_797 : memref<1x1x128x32xf32, #tpu.memory_space<vmem>> -> memref<128x32xf32, #tpu.memory_space<vmem>>
        %dma_start3A_799 = arith.constant 0 : i32
        %dma_start3A_800 = tpu.memref_slice %arg5[%add3A_792, %dma_start3A_799] : memref<200x128xi32, #tpu.memory_space<vmem>> -> memref<1x128xi32, #tpu.memory_space<vmem>>
        %dma_start3A_801 = tpu.memref_squeeze %dma_start3A_800 : memref<1x128xi32, #tpu.memory_space<vmem>> -> memref<128xi32, #tpu.memory_space<vmem>>
        %dma_start3A_802 = arith.constant 0 : i32
        %dma_start3A_803 = arith.constant 0 : i32
        %dma_start3A_804 = tpu.memref_slice %arg3[%dma_start3A_802, %dma_start3A_803] : memref<1000000x32xf32, #tpu.memory_space<hbm>> -> memref<1000000x32xf32, #tpu.memory_space<hbm>>
        tpu.enqueue_indirect_dma source(%dma_start3A_804 : memref<1000000x32xf32, #tpu.memory_space<hbm>>) target(%dma_start3A_798 : memref<128x32xf32, #tpu.memory_space<vmem>>) offsets(%dma_start3A_801 : memref<128xi32, #tpu.memory_space<vmem>>) semaphore(%arg7 : memref<!tpu.dma_semaphore, #tpu.memory_space<semaphore_mem>>)
      } else {
      }
      %dma_wait3A_491 = arith.constant 0 : i32
      %dma_wait3A_492 = arith.constant 1 : i32
      %dma_wait3A_493 = arith.constant 0 : i32
      %dma_wait3A_494 = arith.constant 0 : i32
      %dma_wait3A_495 = arith.constant 0 : i32
      %dma_wait3A_496 = tpu.memref_slice %arg6[%dma_wait3A_492, %dma_wait3A_493, %dma_wait3A_494, %dma_wait3A_495] : memref<2x10x128x32xf32, #tpu.memory_space<vmem>> -> memref<1x1x128x32xf32, #tpu.memory_space<vmem>>
      %dma_wait3A_497 = tpu.memref_squeeze %dma_wait3A_496 : memref<1x1x128x32xf32, #tpu.memory_space<vmem>> -> memref<128x32xf32, #tpu.memory_space<vmem>>
      %dma_wait3A_498 = arith.constant 0 : i32
      %dma_wait3A_499 = tpu.memref_slice %arg5[%dma_wait3A_491, %dma_wait3A_498] : memref<200x128xi32, #tpu.memory_space<vmem>> -> memref<1x128xi32, #tpu.memory_space<vmem>>
      %dma_wait3A_500 = tpu.memref_squeeze %dma_wait3A_499 : memref<1x128xi32, #tpu.memory_space<vmem>> -> memref<128xi32, #tpu.memory_space<vmem>>
      %dma_wait3A_501 = arith.constant 0 : i32
      %dma_wait3A_502 = arith.constant 0 : i32
      %dma_wait3A_503 = tpu.memref_slice %arg3[%dma_wait3A_501, %dma_wait3A_502] : memref<1000000x32xf32, #tpu.memory_space<hbm>> -> memref<1000000x32xf32, #tpu.memory_space<hbm>>
      tpu.wait_indirect_dma semaphore(%arg8 : memref<!tpu.dma_semaphore, #tpu.memory_space<semaphore_mem>>) src(%dma_wait3A_503 : memref<1000000x32xf32, #tpu.memory_space<hbm>>) dst(%dma_wait3A_497 : memref<128x32xf32, #tpu.memory_space<vmem>>)
      %dma_wait3A_504 = arith.constant 1 : i32
      %dma_wait3A_505 = arith.constant 1 : i32
      %dma_wait3A_506 = arith.constant 1 : i32
      %dma_wait3A_507 = arith.constant 0 : i32
      %dma_wait3A_508 = arith.constant 0 : i32
      %dma_wait3A_509 = tpu.memref_slice %arg6[%dma_wait3A_505, %dma_wait3A_506, %dma_wait3A_507, %dma_wait3A_508] : memref<2x10x128x32xf32, #tpu.memory_space<vmem>> -> memref<1x1x128x32xf32, #tpu.memory_space<vmem>>
      %dma_wait3A_510 = tpu.memref_squeeze %dma_wait3A_509 : memref<1x1x128x32xf32, #tpu.memory_space<vmem>> -> memref<128x32xf32, #tpu.memory_space<vmem>>
      %dma_wait3A_511 = arith.constant 0 : i32
      %dma_wait3A_512 = tpu.memref_slice %arg5[%dma_wait3A_504, %dma_wait3A_511] : memref<200x128xi32, #tpu.memory_space<vmem>> -> memref<1x128xi32, #tpu.memory_space<vmem>>
      %dma_wait3A_513 = tpu.memref_squeeze %dma_wait3A_512 : memref<1x128xi32, #tpu.memory_space<vmem>> -> memref<128xi32, #tpu.memory_space<vmem>>
      %dma_wait3A_514 = arith.constant 0 : i32
      %dma_wait3A_515 = arith.constant 0 : i32
      %dma_wait3A_516 = tpu.memref_slice %arg3[%dma_wait3A_514, %dma_wait3A_515] : memref<1000000x32xf32, #tpu.memory_space<hbm>> -> memref<1000000x32xf32, #tpu.memory_space<hbm>>
      tpu.wait_indirect_dma semaphore(%arg8 : memref<!tpu.dma_semaphore, #tpu.memory_space<semaphore_mem>>) src(%dma_wait3A_516 : memref<1000000x32xf32, #tpu.memory_space<hbm>>) dst(%dma_wait3A_510 : memref<128x32xf32, #tpu.memory_space<vmem>>)
      %dma_wait3A_517 = arith.constant 2 : i32
      %dma_wait3A_518 = arith.constant 1 : i32
      %dma_wait3A_519 = arith.constant 2 : i32
      %dma_wait3A_520 = arith.constant 0 : i32
      %dma_wait3A_521 = arith.constant 0 : i32
      %dma_wait3A_522 = tpu.memref_slice %arg6[%dma_wait3A_518, %dma_wait3A_519, %dma_wait3A_520, %dma_wait3A_521] : memref<2x10x128x32xf32, #tpu.memory_space<vmem>> -> memref<1x1x128x32xf32, #tpu.memory_space<vmem>>
      %dma_wait3A_523 = tpu.memref_squeeze %dma_wait3A_522 : memref<1x1x128x32xf32, #tpu.memory_space<vmem>> -> memref<128x32xf32, #tpu.memory_space<vmem>>
      %dma_wait3A_524 = arith.constant 0 : i32
      %dma_wait3A_525 = tpu.memref_slice %arg5[%dma_wait3A_517, %dma_wait3A_524] : memref<200x128xi32, #tpu.memory_space<vmem>> -> memref<1x128xi32, #tpu.memory_space<vmem>>
      %dma_wait3A_526 = tpu.memref_squeeze %dma_wait3A_525 : memref<1x128xi32, #tpu.memory_space<vmem>> -> memref<128xi32, #tpu.memory_space<vmem>>
      %dma_wait3A_527 = arith.constant 0 : i32
      %dma_wait3A_528 = arith.constant 0 : i32
      %dma_wait3A_529 = tpu.memref_slice %arg3[%dma_wait3A_527, %dma_wait3A_528] : memref<1000000x32xf32, #tpu.memory_space<hbm>> -> memref<1000000x32xf32, #tpu.memory_space<hbm>>
      tpu.wait_indirect_dma semaphore(%arg8 : memref<!tpu.dma_semaphore, #tpu.memory_space<semaphore_mem>>) src(%dma_wait3A_529 : memref<1000000x32xf32, #tpu.memory_space<hbm>>) dst(%dma_wait3A_523 : memref<128x32xf32, #tpu.memory_space<vmem>>)
      %dma_wait3A_530 = arith.constant 3 : i32
      %dma_wait3A_531 = arith.constant 1 : i32
      %dma_wait3A_532 = arith.constant 3 : i32
      %dma_wait3A_533 = arith.constant 0 : i32
      %dma_wait3A_534 = arith.constant 0 : i32
      %dma_wait3A_535 = tpu.memref_slice %arg6[%dma_wait3A_531, %dma_wait3A_532, %dma_wait3A_533, %dma_wait3A_534] : memref<2x10x128x32xf32, #tpu.memory_space<vmem>> -> memref<1x1x128x32xf32, #tpu.memory_space<vmem>>
      %dma_wait3A_536 = tpu.memref_squeeze %dma_wait3A_535 : memref<1x1x128x32xf32, #tpu.memory_space<vmem>> -> memref<128x32xf32, #tpu.memory_space<vmem>>
      %dma_wait3A_537 = arith.constant 0 : i32
      %dma_wait3A_538 = tpu.memref_slice %arg5[%dma_wait3A_530, %dma_wait3A_537] : memref<200x128xi32, #tpu.memory_space<vmem>> -> memref<1x128xi32, #tpu.memory_space<vmem>>
      %dma_wait3A_539 = tpu.memref_squeeze %dma_wait3A_538 : memref<1x128xi32, #tpu.memory_space<vmem>> -> memref<128xi32, #tpu.memory_space<vmem>>
      %dma_wait3A_540 = arith.constant 0 : i32
      %dma_wait3A_541 = arith.constant 0 : i32
      %dma_wait3A_542 = tpu.memref_slice %arg3[%dma_wait3A_540, %dma_wait3A_541] : memref<1000000x32xf32, #tpu.memory_space<hbm>> -> memref<1000000x32xf32, #tpu.memory_space<hbm>>
      tpu.wait_indirect_dma semaphore(%arg8 : memref<!tpu.dma_semaphore, #tpu.memory_space<semaphore_mem>>) src(%dma_wait3A_542 : memref<1000000x32xf32, #tpu.memory_space<hbm>>) dst(%dma_wait3A_536 : memref<128x32xf32, #tpu.memory_space<vmem>>)
      %dma_wait3A_543 = arith.constant 4 : i32
      %dma_wait3A_544 = arith.constant 1 : i32
      %dma_wait3A_545 = arith.constant 4 : i32
      %dma_wait3A_546 = arith.constant 0 : i32
      %dma_wait3A_547 = arith.constant 0 : i32
      %dma_wait3A_548 = tpu.memref_slice %arg6[%dma_wait3A_544, %dma_wait3A_545, %dma_wait3A_546, %dma_wait3A_547] : memref<2x10x128x32xf32, #tpu.memory_space<vmem>> -> memref<1x1x128x32xf32, #tpu.memory_space<vmem>>
      %dma_wait3A_549 = tpu.memref_squeeze %dma_wait3A_548 : memref<1x1x128x32xf32, #tpu.memory_space<vmem>> -> memref<128x32xf32, #tpu.memory_space<vmem>>
      %dma_wait3A_550 = arith.constant 0 : i32
      %dma_wait3A_551 = tpu.memref_slice %arg5[%dma_wait3A_543, %dma_wait3A_550] : memref<200x128xi32, #tpu.memory_space<vmem>> -> memref<1x128xi32, #tpu.memory_space<vmem>>
      %dma_wait3A_552 = tpu.memref_squeeze %dma_wait3A_551 : memref<1x128xi32, #tpu.memory_space<vmem>> -> memref<128xi32, #tpu.memory_space<vmem>>
      %dma_wait3A_553 = arith.constant 0 : i32
      %dma_wait3A_554 = arith.constant 0 : i32
      %dma_wait3A_555 = tpu.memref_slice %arg3[%dma_wait3A_553, %dma_wait3A_554] : memref<1000000x32xf32, #tpu.memory_space<hbm>> -> memref<1000000x32xf32, #tpu.memory_space<hbm>>
      tpu.wait_indirect_dma semaphore(%arg8 : memref<!tpu.dma_semaphore, #tpu.memory_space<semaphore_mem>>) src(%dma_wait3A_555 : memref<1000000x32xf32, #tpu.memory_space<hbm>>) dst(%dma_wait3A_549 : memref<128x32xf32, #tpu.memory_space<vmem>>)
      %dma_wait3A_556 = arith.constant 5 : i32
      %dma_wait3A_557 = arith.constant 1 : i32
      %dma_wait3A_558 = arith.constant 5 : i32
      %dma_wait3A_559 = arith.constant 0 : i32
      %dma_wait3A_560 = arith.constant 0 : i32
      %dma_wait3A_561 = tpu.memref_slice %arg6[%dma_wait3A_557, %dma_wait3A_558, %dma_wait3A_559, %dma_wait3A_560] : memref<2x10x128x32xf32, #tpu.memory_space<vmem>> -> memref<1x1x128x32xf32, #tpu.memory_space<vmem>>
      %dma_wait3A_562 = tpu.memref_squeeze %dma_wait3A_561 : memref<1x1x128x32xf32, #tpu.memory_space<vmem>> -> memref<128x32xf32, #tpu.memory_space<vmem>>
      %dma_wait3A_563 = arith.constant 0 : i32
      %dma_wait3A_564 = tpu.memref_slice %arg5[%dma_wait3A_556, %dma_wait3A_563] : memref<200x128xi32, #tpu.memory_space<vmem>> -> memref<1x128xi32, #tpu.memory_space<vmem>>
      %dma_wait3A_565 = tpu.memref_squeeze %dma_wait3A_564 : memref<1x128xi32, #tpu.memory_space<vmem>> -> memref<128xi32, #tpu.memory_space<vmem>>
      %dma_wait3A_566 = arith.constant 0 : i32
      %dma_wait3A_567 = arith.constant 0 : i32
      %dma_wait3A_568 = tpu.memref_slice %arg3[%dma_wait3A_566, %dma_wait3A_567] : memref<1000000x32xf32, #tpu.memory_space<hbm>> -> memref<1000000x32xf32, #tpu.memory_space<hbm>>
      tpu.wait_indirect_dma semaphore(%arg8 : memref<!tpu.dma_semaphore, #tpu.memory_space<semaphore_mem>>) src(%dma_wait3A_568 : memref<1000000x32xf32, #tpu.memory_space<hbm>>) dst(%dma_wait3A_562 : memref<128x32xf32, #tpu.memory_space<vmem>>)
      %dma_wait3A_569 = arith.constant 6 : i32
      %dma_wait3A_570 = arith.constant 1 : i32
      %dma_wait3A_571 = arith.constant 6 : i32
      %dma_wait3A_572 = arith.constant 0 : i32
      %dma_wait3A_573 = arith.constant 0 : i32
      %dma_wait3A_574 = tpu.memref_slice %arg6[%dma_wait3A_570, %dma_wait3A_571, %dma_wait3A_572, %dma_wait3A_573] : memref<2x10x128x32xf32, #tpu.memory_space<vmem>> -> memref<1x1x128x32xf32, #tpu.memory_space<vmem>>
      %dma_wait3A_575 = tpu.memref_squeeze %dma_wait3A_574 : memref<1x1x128x32xf32, #tpu.memory_space<vmem>> -> memref<128x32xf32, #tpu.memory_space<vmem>>
      %dma_wait3A_576 = arith.constant 0 : i32
      %dma_wait3A_577 = tpu.memref_slice %arg5[%dma_wait3A_569, %dma_wait3A_576] : memref<200x128xi32, #tpu.memory_space<vmem>> -> memref<1x128xi32, #tpu.memory_space<vmem>>
      %dma_wait3A_578 = tpu.memref_squeeze %dma_wait3A_577 : memref<1x128xi32, #tpu.memory_space<vmem>> -> memref<128xi32, #tpu.memory_space<vmem>>
      %dma_wait3A_579 = arith.constant 0 : i32
      %dma_wait3A_580 = arith.constant 0 : i32
      %dma_wait3A_581 = tpu.memref_slice %arg3[%dma_wait3A_579, %dma_wait3A_580] : memref<1000000x32xf32, #tpu.memory_space<hbm>> -> memref<1000000x32xf32, #tpu.memory_space<hbm>>
      tpu.wait_indirect_dma semaphore(%arg8 : memref<!tpu.dma_semaphore, #tpu.memory_space<semaphore_mem>>) src(%dma_wait3A_581 : memref<1000000x32xf32, #tpu.memory_space<hbm>>) dst(%dma_wait3A_575 : memref<128x32xf32, #tpu.memory_space<vmem>>)
      %dma_wait3A_582 = arith.constant 7 : i32
      %dma_wait3A_583 = arith.constant 1 : i32
      %dma_wait3A_584 = arith.constant 7 : i32
      %dma_wait3A_585 = arith.constant 0 : i32
      %dma_wait3A_586 = arith.constant 0 : i32
      %dma_wait3A_587 = tpu.memref_slice %arg6[%dma_wait3A_583, %dma_wait3A_584, %dma_wait3A_585, %dma_wait3A_586] : memref<2x10x128x32xf32, #tpu.memory_space<vmem>> -> memref<1x1x128x32xf32, #tpu.memory_space<vmem>>
      %dma_wait3A_588 = tpu.memref_squeeze %dma_wait3A_587 : memref<1x1x128x32xf32, #tpu.memory_space<vmem>> -> memref<128x32xf32, #tpu.memory_space<vmem>>
      %dma_wait3A_589 = arith.constant 0 : i32
      %dma_wait3A_590 = tpu.memref_slice %arg5[%dma_wait3A_582, %dma_wait3A_589] : memref<200x128xi32, #tpu.memory_space<vmem>> -> memref<1x128xi32, #tpu.memory_space<vmem>>
      %dma_wait3A_591 = tpu.memref_squeeze %dma_wait3A_590 : memref<1x128xi32, #tpu.memory_space<vmem>> -> memref<128xi32, #tpu.memory_space<vmem>>
      %dma_wait3A_592 = arith.constant 0 : i32
      %dma_wait3A_593 = arith.constant 0 : i32
      %dma_wait3A_594 = tpu.memref_slice %arg3[%dma_wait3A_592, %dma_wait3A_593] : memref<1000000x32xf32, #tpu.memory_space<hbm>> -> memref<1000000x32xf32, #tpu.memory_space<hbm>>
      tpu.wait_indirect_dma semaphore(%arg8 : memref<!tpu.dma_semaphore, #tpu.memory_space<semaphore_mem>>) src(%dma_wait3A_594 : memref<1000000x32xf32, #tpu.memory_space<hbm>>) dst(%dma_wait3A_588 : memref<128x32xf32, #tpu.memory_space<vmem>>)
      %dma_wait3A_595 = arith.constant 8 : i32
      %dma_wait3A_596 = arith.constant 1 : i32
      %dma_wait3A_597 = arith.constant 8 : i32
      %dma_wait3A_598 = arith.constant 0 : i32
      %dma_wait3A_599 = arith.constant 0 : i32
      %dma_wait3A_600 = tpu.memref_slice %arg6[%dma_wait3A_596, %dma_wait3A_597, %dma_wait3A_598, %dma_wait3A_599] : memref<2x10x128x32xf32, #tpu.memory_space<vmem>> -> memref<1x1x128x32xf32, #tpu.memory_space<vmem>>
      %dma_wait3A_601 = tpu.memref_squeeze %dma_wait3A_600 : memref<1x1x128x32xf32, #tpu.memory_space<vmem>> -> memref<128x32xf32, #tpu.memory_space<vmem>>
      %dma_wait3A_602 = arith.constant 0 : i32
      %dma_wait3A_603 = tpu.memref_slice %arg5[%dma_wait3A_595, %dma_wait3A_602] : memref<200x128xi32, #tpu.memory_space<vmem>> -> memref<1x128xi32, #tpu.memory_space<vmem>>
      %dma_wait3A_604 = tpu.memref_squeeze %dma_wait3A_603 : memref<1x128xi32, #tpu.memory_space<vmem>> -> memref<128xi32, #tpu.memory_space<vmem>>
      %dma_wait3A_605 = arith.constant 0 : i32
      %dma_wait3A_606 = arith.constant 0 : i32
      %dma_wait3A_607 = tpu.memref_slice %arg3[%dma_wait3A_605, %dma_wait3A_606] : memref<1000000x32xf32, #tpu.memory_space<hbm>> -> memref<1000000x32xf32, #tpu.memory_space<hbm>>
      tpu.wait_indirect_dma semaphore(%arg8 : memref<!tpu.dma_semaphore, #tpu.memory_space<semaphore_mem>>) src(%dma_wait3A_607 : memref<1000000x32xf32, #tpu.memory_space<hbm>>) dst(%dma_wait3A_601 : memref<128x32xf32, #tpu.memory_space<vmem>>)
      %dma_wait3A_608 = arith.constant 9 : i32
      %dma_wait3A_609 = arith.constant 1 : i32
      %dma_wait3A_610 = arith.constant 9 : i32
      %dma_wait3A_611 = arith.constant 0 : i32
      %dma_wait3A_612 = arith.constant 0 : i32
      %dma_wait3A_613 = tpu.memref_slice %arg6[%dma_wait3A_609, %dma_wait3A_610, %dma_wait3A_611, %dma_wait3A_612] : memref<2x10x128x32xf32, #tpu.memory_space<vmem>> -> memref<1x1x128x32xf32, #tpu.memory_space<vmem>>
      %dma_wait3A_614 = tpu.memref_squeeze %dma_wait3A_613 : memref<1x1x128x32xf32, #tpu.memory_space<vmem>> -> memref<128x32xf32, #tpu.memory_space<vmem>>
      %dma_wait3A_615 = arith.constant 0 : i32
      %dma_wait3A_616 = tpu.memref_slice %arg5[%dma_wait3A_608, %dma_wait3A_615] : memref<200x128xi32, #tpu.memory_space<vmem>> -> memref<1x128xi32, #tpu.memory_space<vmem>>
      %dma_wait3A_617 = tpu.memref_squeeze %dma_wait3A_616 : memref<1x128xi32, #tpu.memory_space<vmem>> -> memref<128xi32, #tpu.memory_space<vmem>>
      %dma_wait3A_618 = arith.constant 0 : i32
      %dma_wait3A_619 = arith.constant 0 : i32
      %dma_wait3A_620 = tpu.memref_slice %arg3[%dma_wait3A_618, %dma_wait3A_619] : memref<1000000x32xf32, #tpu.memory_space<hbm>> -> memref<1000000x32xf32, #tpu.memory_space<hbm>>
      tpu.wait_indirect_dma semaphore(%arg8 : memref<!tpu.dma_semaphore, #tpu.memory_space<semaphore_mem>>) src(%dma_wait3A_620 : memref<1000000x32xf32, #tpu.memory_space<hbm>>) dst(%dma_wait3A_614 : memref<128x32xf32, #tpu.memory_space<vmem>>)
      %add3A_621 = arith.constant 1 : i32
      %add3A_622 = arith.addi %mul3A_155, %add3A_621 : i32
      %mul3A_623 = arith.constant 10 : i32
      %mul3A_624 = arith.muli %add3A_622, %mul3A_623 : i32
      %add3A_625 = arith.addi %mul3A_2, %mul3A_624 : i32
      %dma_start3A_626 = arith.constant 1 : i32
      %dma_start3A_627 = arith.constant 0 : i32
      %dma_start3A_628 = arith.constant 0 : i32
      %dma_start3A_629 = arith.constant 0 : i32
      %dma_start3A_630 = tpu.memref_slice %arg6[%dma_start3A_626, %dma_start3A_627, %dma_start3A_628, %dma_start3A_629] : memref<2x10x128x32xf32, #tpu.memory_space<vmem>> -> memref<1x10x128x32xf32, #tpu.memory_space<vmem>>
      %dma_start3A_631 = tpu.memref_squeeze %dma_start3A_630 : memref<1x10x128x32xf32, #tpu.memory_space<vmem>> -> memref<10x128x32xf32, #tpu.memory_space<vmem>>
      %dma_start3A_632 = arith.constant 0 : i32
      %dma_start3A_633 = arith.constant 0 : i32
      %dma_start3A_634 = tpu.memref_slice %arg4[%add3A_625, %dma_start3A_632, %dma_start3A_633] : memref<6400x128x32xf32, #tpu.memory_space<hbm>> -> memref<10x128x32xf32, #tpu.memory_space<hbm>>
      %dma_start3A_635 = arith.constant 0 : i32
      %dma_start3A_636 = arith.constant 0 : i32
      %dma_start3A_637 = tpu.memref_slice %arg4[%add3A_625, %dma_start3A_635, %dma_start3A_636] : memref<6400x128x32xf32, #tpu.memory_space<hbm>> -> memref<10x128x32xf32, #tpu.memory_space<hbm>>
      %dma_start3A_638 = arith.constant 0 : i32
      %dma_start3A_639 = arith.constant 0 : i32
      %dma_start3A_640 = arith.constant 0 : i32
      %dma_start3A_641 = tpu.memref_slice %arg6[%dma_start3A_626, %dma_start3A_638, %dma_start3A_639, %dma_start3A_640] : memref<2x10x128x32xf32, #tpu.memory_space<vmem>> -> memref<1x10x128x32xf32, #tpu.memory_space<vmem>>
      %dma_start3A_642 = tpu.memref_squeeze %dma_start3A_641 : memref<1x10x128x32xf32, #tpu.memory_space<vmem>> -> memref<10x128x32xf32, #tpu.memory_space<vmem>>
      tpu.enqueue_dma source(%dma_start3A_642 : memref<10x128x32xf32, #tpu.memory_space<vmem>>) target(%dma_start3A_637 : memref<10x128x32xf32, #tpu.memory_space<hbm>>) target_semaphore(%arg9 : memref<!tpu.dma_semaphore, #tpu.memory_space<semaphore_mem>>)
    }
    %scan3A_136 = arith.constant 10 : i32
    %dma_wait3A = arith.constant 1 : i32
    %dma_wait3A_137 = arith.constant 0 : i32
    %dma_wait3A_138 = arith.constant 0 : i32
    %dma_wait3A_139 = arith.constant 0 : i32
    %dma_wait3A_140 = tpu.memref_slice %arg6[%dma_wait3A, %dma_wait3A_137, %dma_wait3A_138, %dma_wait3A_139] : memref<2x10x128x32xf32, #tpu.memory_space<vmem>> -> memref<1x10x128x32xf32, #tpu.memory_space<vmem>>
    %dma_wait3A_141 = tpu.memref_squeeze %dma_wait3A_140 : memref<1x10x128x32xf32, #tpu.memory_space<vmem>> -> memref<10x128x32xf32, #tpu.memory_space<vmem>>
    %dma_wait3A_142 = arith.constant 0 : i32
    %dma_wait3A_143 = arith.constant 0 : i32
    %dma_wait3A_144 = tpu.memref_slice %arg4[%mul3A_2, %dma_wait3A_142, %dma_wait3A_143] : memref<6400x128x32xf32, #tpu.memory_space<hbm>> -> memref<10x128x32xf32, #tpu.memory_space<hbm>>
    %dma_wait3A_145 = arith.constant 0 : i32
    %dma_wait3A_146 = arith.constant 0 : i32
    %dma_wait3A_147 = tpu.memref_slice %arg4[%mul3A_2, %dma_wait3A_145, %dma_wait3A_146] : memref<6400x128x32xf32, #tpu.memory_space<hbm>> -> memref<10x128x32xf32, #tpu.memory_space<hbm>>
    %dma_wait3A_148 = arith.constant 0 : i32
    %dma_wait3A_149 = arith.constant 0 : i32
    %dma_wait3A_150 = arith.constant 0 : i32
    %dma_wait3A_151 = tpu.memref_slice %arg6[%dma_wait3A, %dma_wait3A_148, %dma_wait3A_149, %dma_wait3A_150] : memref<2x10x128x32xf32, #tpu.memory_space<vmem>> -> memref<1x10x128x32xf32, #tpu.memory_space<vmem>>
    %dma_wait3A_152 = tpu.memref_squeeze %dma_wait3A_151 : memref<1x10x128x32xf32, #tpu.memory_space<vmem>> -> memref<10x128x32xf32, #tpu.memory_space<vmem>>
    tpu.wait_dma2 semaphore(%arg9 : memref<!tpu.dma_semaphore, #tpu.memory_space<semaphore_mem>>) src(%dma_wait3A_152 : memref<10x128x32xf32, #tpu.memory_space<vmem>>) dst(%dma_wait3A_147 : memref<10x128x32xf32, #tpu.memory_space<hbm>>)
    return
  }
}

</mosaic_0001>

<sc_bundles>
// kernel: kernel.3.cloned.1.call-start
scs
__scs_entry_jumppad:
0x0: {  	(pc) =	sbr.rel $0x88, $3  }
0x1: {  	(tag) =	ssettag $0x0;
	lr =	simm.s32 $0x1  }
0x2: {  	[smem:$0x3F9F] =	sst lr;
	_ =	strace $0xD0000000  }
0x3: {  	_ = 	snop  }
0x4: {  	_ = 	snop  }
0x5: {  	_ = 	snop  }
0x6: {  	_ = 	snop  }
0x7: {  	_ = 	snop  }
__scs_overlays_trampoline_lowered:
0x8: {  	[smem:$0x3FAE] =	sst s0  }
0x9: {  	[smem:$0x3FAF] =	sst s1  }
0xa: {  	[smem:$0x3FB0] =	sst s2  }
0xb: {  	[smem:$0x3FB1] =	sst s3  }
0xc: {  	[smem:$0x3FB2] =	sst s4  }
0xd: {  	[smem:$0x3FB3] =	sst s5  }
0xe: {  	[smem:$0x3FB4] =	sst s6  }
0xf: {  	[smem:$0x3FB5] =	sst s7  }
0x10: {  	[smem:$0x3FB6] =	sst s8  }
0x11: {  	[smem:$0x3FB7] =	sst s9;
	s0 =	simm.s32 @!p0 $0x0  }
0x12: {  	s1 =	sld [smem:$0x3F9D];
	s0 =	simm.s32 @p0 $0x1  }
0x13: {  	[smem:$0x3FB8] =	sst s0;
	s0 =	simm.s32 @!p1 $0x0  }
0x14: {  	s2 =	sld [smem:$0x3F9C];
	s0 =	simm.s32 @p1 $0x1  }
0x15: {  	[smem:$0x3FB9] =	sst s0;
	s0 =	simm.s32 @!p2 $0x0  }
0x16: {  	s3 =	sld [smem:$0x3FDB];
	s0 =	simm.s32 @p2 $0x1  }
0x17: {  	s4 =	simm.s32 $0x1BF5;
	[smem:$0x3FBB] =	sst s0  }
0x18: {  	s0 =	sld [smem:$0x3F9E];
	_ =	swait.ge [sflag:s4], $0x0  }
0x19: {  	s7 =	sld [smem:$0x3F9F]  }
0x1a: {  	s8 =	sadd.s32 $0xFFFFE003, lr  }
0x1b: {  	s9 =	sadd.s32 $0xFFFFFEF7, lr;
	s5 =	simm.s32 $0xFFFFFFFF;
	p2 =	slt.u32 s8, $0xFFFFF086  }
0x1c: {  	p1 =	slt.u32 s9, $0xF7A;
	s5 =	simm.s32 @!p2 $0x0  }
0x1d: {  	s5 =	simm.s32 @p1 $0x1;
	p0 =	seq.s32 s7, s2  }
0x1e: {  	s7 =	smul.u32 @!p0 $0xF7A, s2;
	p2 =	seq.s32 @!p0 s5, $0x0  }
0x1f: {  	s9 =	smul.u32 $0xF7A, s1;
	s8 =	simm.s32 @!p0 $0x1BF5;
	p2 =	por !p2, p0  }
0x20: {  	[sflag:s8] =	ssyncset.s32 @!p0 $0xFFFFF086;
	s6 =	sadd.s32 @!p0 s3, s7;
	s7 =	simm.s32 @!p0 $0x108  }
0x21: {  	s3 =	sadd.s32 s3, s9;
	s6 =	sadd.s32 @!p0 $0x88, s6;
	s7 =	simm.s32 @p2 $0x1082  }
0x22: {  	[simem:s7], [sflag:s8] =	dma.local @!p0 [hbm:s6], $0xF7A  }
0x23: {  	s9 =	sor.u32 $0xD0000000, s2;
	s6 =	simm.s32 $0x108;
	_ =	swait.ge @!p0 [sflag:s8], $0x0  }
0x24: {  	s3 =	sadd.s32 $0x88, s3;
	s6 =	simm.s32 @!p1 $0x1082;
	[sflag:s4] =	ssyncset.s32 $0xFFFFF086  }
0x25: {  	[simem:s6], [sflag:s4] =	dma.local [hbm:s3], $0xF7A  }
0x26: {  	[smem:$0x3F9F] =	sst s1;
	(tag) =	ssettag s2;
	_ =	strace s9  }
0x27: {  	s1 =	sld [smem:$0x3FAF]  }
0x28: {  	s2 =	sld [smem:$0x3FB0]  }
0x29: {  	s4 =	sld [smem:$0x3FB2]  }
0x2a: {  	p0 =	seq.s32 s5, $0x0;
	s5 =	sld [smem:$0x3FB3]  }
0x2b: {  	s6 =	sld [smem:$0x3FB4]  }
0x2c: {  	s7 =	sld [smem:$0x3FB5]  }
0x2d: {  	s3 =	simm.s32 $0x108;
	s8 =	sld [smem:$0x3FB6]  }
0x2e: {  	s3 =	simm.s32 @!p0 $0x1082;
	s9 =	sld [smem:$0x3FB7]  }
0x2f: {  	lr =	sadd.s32 s0, s3;
	s0 =	sld [smem:$0x3FAE]  }
0x30: {  	s3 =	sld [smem:$0x3FB1]  }
0x31: {  	[smem:$0x3FBA] =	sst s10  }
0x32: {  	s10 =	sld [smem:$0x3FB8];
	_ =	sdelay $0x3  }
0x33: {  	p0 =	seq.s32 s10, $0x1;
	s10 =	sld [smem:$0x3FBA];
	_ =	sdelay $0x3  }
0x34: {  	[smem:$0x3FBA] =	sst s10  }
0x35: {  	s10 =	sld [smem:$0x3FB9];
	_ =	sdelay $0x3  }
0x36: {  	p1 =	seq.s32 s10, $0x1;
	s10 =	sld [smem:$0x3FBA];
	_ =	sdelay $0x3  }
0x37: {  	[smem:$0x3FBA] =	sst s10  }
0x38: {  	s10 =	sld [smem:$0x3FBB]  }
0x39: {  	_ = 	snop;
	(pc) =	sbr.ind lr, $3  }
0x3a: {  	_ = 	snop  }
0x3b: {  	_ = 	snop  }
0x3c: {  	p2 =	seq.s32 s10, $0x1;
	s10 =	sld [smem:$0x3FBA]  }
0x3d: {  	_ =	shalt  }
0x3e: {  	_ =	shalt  }
0x3f: {  	_ =	shalt  }
0x40: {  	_ =	shalt  }
0x41: {  	_ =	shalt  }
0x42: {  	_ =	shalt  }
0x43: {  	_ =	shalt  }
0x44: {  	_ =	shalt  }
0x45: {  	_ =	shalt  }
0x46: {  	_ =	shalt  }
0x47: {  	_ =	shalt  }
0x48: {  	_ =	shalt  }
0x49: {  	_ =	shalt  }
0x4a: {  	_ =	shalt  }
0x4b: {  	_ =	shalt  }
0x4c: {  	_ =	shalt  }
0x4d: {  	_ =	shalt  }
0x4e: {  	_ =	shalt  }
0x4f: {  	_ =	shalt  }
0x50: {  	_ =	shalt  }
0x51: {  	_ =	shalt  }
0x52: {  	_ =	shalt  }
0x53: {  	_ =	shalt  }
0x54: {  	_ =	shalt  }
0x55: {  	_ =	shalt  }
0x56: {  	_ =	shalt  }
0x57: {  	_ =	shalt  }
0x58: {  	_ =	shalt  }
0x59: {  	_ =	shalt  }
0x5a: {  	_ =	shalt  }
0x5b: {  	_ =	shalt  }
0x5c: {  	_ =	shalt  }
0x5d: {  	_ =	shalt  }
0x5e: {  	_ =	shalt  }
0x5f: {  	_ =	shalt  }
0x60: {  	_ =	shalt  }
0x61: {  	_ =	shalt  }
0x62: {  	_ =	shalt  }
0x63: {  	_ =	shalt  }
0x64: {  	_ =	shalt  }
0x65: {  	_ =	shalt  }
0x66: {  	_ =	shalt  }
0x67: {  	_ =	shalt  }
0x68: {  	_ =	shalt  }
0x69: {  	_ =	shalt  }
0x6a: {  	_ =	shalt  }
0x6b: {  	_ =	shalt  }
0x6c: {  	_ =	shalt  }
0x6d: {  	_ =	shalt  }
0x6e: {  	_ =	shalt  }
0x6f: {  	_ =	shalt  }
0x70: {  	_ =	shalt  }
0x71: {  	_ =	shalt  }
0x72: {  	_ =	shalt  }
0x73: {  	_ =	shalt  }
0x74: {  	_ =	shalt  }
0x75: {  	_ =	shalt  }
0x76: {  	_ =	shalt  }
0x77: {  	_ =	shalt  }
0x78: {  	_ =	shalt  }
0x79: {  	_ =	shalt  }
0x7a: {  	_ =	shalt  }
0x7b: {  	_ =	shalt  }
0x7c: {  	_ =	shalt  }
0x7d: {  	_ =	shalt  }
0x7e: {  	_ =	shalt  }
0x7f: {  	_ =	shalt  }
0x80: {  	_ =	shalt  }
0x81: {  	_ =	shalt  }
0x82: {  	_ =	shalt  }
0x83: {  	_ =	shalt  }
0x84: {  	_ =	shalt  }
0x85: {  	_ =	shalt  }
0x86: {  	_ =	shalt  }
0x87: {  	_ =	shalt  }
.Lfunc_end0:
.L_simem_size_0:
called_computation.2_lowered:
.L_overlay_start_0:
0x88: {  	s2 =	sld [smem:$0x3FD9]  }
0x89: {  	s3 =	sld [smem:$0x3FFE];
	_ =	sdelay $0x1  }
0x8a: {  	s1 =	srdreg.scid  }
0x8b: {  	s0 =	sand.u32 $0x1, s1  }
0x8c: {  	s17 =	sshll.u32 s0, $0xA;
	s2 =	sadd.s32 s3, s2  }
0x8d: {  	s2 =	sadd.s32 s2, s17  }
0x8e: {  	[smem:$0x3FC6] =	sst s2  }
0x8f: {  	_ = 	snop  }
0x90: {  	s2 =	sld [smem:$0x3FD0];
	(tm) =	ssettm $0x1  }
0x91: {  	s18 =	sld [smem:$0x3FFB];
	_ =	sdelay $0x3  }
0x92: {  	_ =	strace s18  }
0x93: {  	s3 =	sld [smem:$0x3FFC];
	_ =	sdelay $0x3  }
0x94: {  	_ =	strace s3  }
0x95: {  	s3 =	sld [smem:$0x3FFD];
	_ =	sdelay $0x3  }
0x96: {  	_ =	strace s3  }
0x97: {  	_ =	strace $0x8FFFFFFF  }
0x98: {  	s19 =	sld [smem:$0x3FDB];
	_ =	sdelay $0x1  }
0x99: {  	s4 =	simm.s32 $_scs_section_size  }
0x9a: {  	s5 =	simm.s32 $_size__tile_overlayer_lowered;
	s6 =	simm.s32 $_tile_overlayer_lowered  }
0x9b: {  	s22 =	simm.s32 $0x1BFF;
	s21 =	sshll.u32 s6, $0x1;
	s3 =	sadd.s32 s4, s19  }
0x9c: {  	s7 =	simm.s32 $0x0;
	s20 =	sshll.u32 s5, $0x1;
	s5 =	sadd.s32 s21, s3  }
0x9d: {  	[timem:s7], [sflag:s22] =	dma.local [hbm:s5], s20  }
0x9e: {  	_ =	swait.ge [sflag:s22], s20  }
0x9f: {  	s4 =	ssub.s32 $0x0, s20;
	[sflag:s22] =	ssyncset.done $0x0  }
0xa0: {  	[sflag:s22] =	ssyncadd.s32 s4;
	_ =	sdelay $0x1  }
0xa1: {  	s23 =	simm.s32 $0x1B8B  }
0xa2: {  	_ =	swait.ge [sflag:s23], $0x1  }
0xa3: {  	[sflag:s23] =	ssyncset.done $0x0  }
0xa4: {  	s25 =	simm.s32 $0x1B8E;
	s24 =	sld [smem:$0x3FFE];
	[sflag:s23] =	ssyncadd.s32 $0xFFFFFFFF  }
0xa5: {  	s26 =	simm.s32 $execute0_lowered;
	[smem:$0x3FD2] =	sst s25  }
0xa6: {  	s5 =	sshll.u32 s26, $0x1;
	_ =	strace $0x80000046;
	[dreg:$0x1] =	wrdreg $0xFFFFFFFF  }
0xa7: {  	s28 =	simm.s32 $_size_execute0_lowered;
	s3 =	sadd.s32 s3, s5;
	[dreg:$0x0] =	wrdreg $0x0  }
0xa8: {  	s5 =	sshll.u32 s28, $0x1;
	[dreg:$0x2] =	wrdreg s3  }
0xa9: {  	[dreg:$0x3] =	wrdreg s5  }
0xaa: {  	[dreg:$0x4] =	wrdreg $0xC0  }
0xab: {  	_ =	task [dreg:s7], $0x5FFFF  }
0xac: {  	[dreg:$0x1] =	wrdreg $0xFFFFFFFF  }
0xad: {  	[dreg:$0x0] =	wrdreg $0x60  }
0xae: {  	[dreg:$0x2] =	wrdreg s24  }
0xaf: {  	[dreg:$0x3] =	wrdreg s2  }
0xb0: {  	[dreg:$0x4] =	wrdreg $0x9  }
0xb1: {  	_ =	task.clear_ibuf [dreg:s7], $0x5FFFF;
	_ =	strace $0x90000046  }
0xb2: {  	s29 =	simm.s32 $0x9;
	_ =	strace $0x80000048  }
0xb3: {  	_ =	swait.ge [sflag:s29], $0x1  }
0xb4: {  	[sflag:s29] =	ssyncadd.s32 $0xFFFFFFFF  }
0xb5: {  	_ =	strace $0x90000048  }
0xb6: {  	_ =	sfence  }
0xb7: {  	s30 =	sld [smem:$0x0];
	_ =	sdelay $0x2  }
0xb8: {  	s31 =	sshll.u32 s1, $0xD;
	s1 =	sshrl.u32 s1, $0x2  }
0xb9: {  	s3 =	sand.u32 $0x4000, s31;
	s1 =	sadd.s32 s1, s30  }
0xba: {  	s0 =	sor.u32 s3, s0;
	s1 =	sshll.u32 s1, $0x11  }
0xbb: {  	s0 =	sor.u32 s1, s0  }
0xbc: {  	s0 =	sadd.s32 $0x8F2B, s0  }
0xbd: {  	[sflag:s0] =	ssyncadd.remote.s32 $0x1  }
0xbe: {  	_ =	sfence.sel $0xFFFF  }
0xbf: {  	[dreg:$0x0] =	wrdreg $0xFFFFFFFF;
	(pc) =	sbr.abs _section_cstart, $3  }
0xc0: {  	[dreg:$0x1] =	wrdreg $0xFFFFFFFF  }
0xc1: {  	_ =	task.clear_ibuf [dreg:s7], $0x2FFFF;
	_ =	strace $0x9FFFFFFF  }
0xc2: {  	(tm) =	ssettm $0x7FFFFFFF  }
0xc3: {  	_ =	shalt  }
tec
execute0_lowered:
.L_overlay_start_1:
0x0: {  	(tag) =	ssettag $0x1  }
0x1: {  	s0 =	srdreg.scid;
	s1 =	rddreg [dreg:$0x0]  }
0x2: {  	s8 =	stileid.u32;
	s4 =	rddreg [dreg:$0x1]  }
0x3: {  	s18 =	simm.s32 $0x11400;
	s19 =	simm.s32 $0x12400;
	s20 =	simm.s32 $0x13400  }
0x4: {  	s21 =	simm.s32 $0x14400;
	s22 =	simm.s32 $0x15400;
	s23 =	simm.s32 $0x16400  }
0x5: {  	s24 =	simm.s32 $0x17400;
	s25 =	simm.s32 $0x18400;
	s26 =	simm.s32 $0x19400  }
0x6: {  	s28 =	simm.s32 $0x1;
	s0 =	sand.u32 $0x1, s0;
	s2 =	sshll.u32 s8, $0x1  }
0x7: {  	s29 =	simm.s32 $0x3;
	s3 =	sor.u32 s0, s2;
	s2 =	simm.s32 $0x0  }
0x8: {  	s30 =	simm.s32 $0x2;
	s5 =	smul.u32 $0x190, s8;
	[smem:$0x7FF] =	sst s2  }
0x9: {  	s13 =	smul.u32 $0x32000, s8;
	_ =	strace $0x80000047;
	[dreg:$0x5] =	wrdreg s18  }
0xa: {  	s31 =	simm.s32 $0x0;
	s6 =	smul.u32 $0xC8, s0;
	[dreg:$0x6] =	wrdreg s19  }
0xb: {  	s14 =	ssub.s32 $0x2, s0;
	s0 =	smul.u32 $0x19000, s0;
	[dreg:$0x7] =	wrdreg s20  }
0xc: {  	s8 =	simm.s32 $0x6400;
	s3 =	smul.u32 $0xC80, s3;
	[dreg:$0x8] =	wrdreg s21  }
0xd: {  	s15 =	sshrl.u32 s14, $0x1;
	s5 =	sadd.s32 s6, s5;
	[dreg:$0x9] =	wrdreg s22  }
0xe: {  	s6 =	ssub.s32 s14, s15;
	s18 =	simm.s32 $0x300;
	[dreg:$0xa] =	wrdreg s23  }
0xf: {  	s19 =	simm.s32 $0xC400;
	s20 =	simm.s32 $0x380;
	[dreg:$0xb] =	wrdreg s24  }
0x10: {  	s21 =	simm.s32 $0xD400;
	s22 =	simm.s32 $0x400;
	[dreg:$0xc] =	wrdreg s25  }
0x11: {  	s23 =	simm.s32 $0xE400;
	s24 =	simm.s32 $0x480;
	[dreg:$0xd] =	wrdreg s26  }
0x12: {  	s25 =	simm.s32 $0xF400;
	s26 =	simm.s32 $0x10400;
	s7 =	sadd.s32 s3, s1  }
0x13: {  	s3 =	sadd.s32 $0xF43200, s1;
	s1 =	sadd.s32 s13, s4;
	s5 =	sshll.u32 s5, $0x9  }
0x14: {  	s0 =	sadd.s32 s0, s1;
	s16 =	sadd.s32 s4, s5;
	s4 =	sadd.s32 $0xE00, s7  }
0x15: {  	s5 =	smax.u32 s6, $0x1;
	[dreg:$0x3] =	wrdreg s0;
	s17 =	sadd.s32 $0x1400, s16  }
0x16: {  	s6 =	simm.s32 $0x4;
	s7 =	simm.s32 $0x80;
	[dreg:$0x4] =	wrdreg s17  }
.LBB2_1:
0x17: {  	[tilespmem:s2], [sflag:$0x4] =	stream.linear.gather [hbm4b:s4+s2], $0x6400, $0x38;
	[tilespmem:$0x1A400] =	vst v63  }
0x18: {  	_ =	swait.ge [sflag:s6], $0x6400  }
0x19: {  	[sflag:s6] =	ssyncset.done $0x0  }
0x1a: {  	[sflag:s6] =	ssyncadd.s32 $0xFFFF9C00  }
0x1b: {  	[tilespmem:s8], [sflag:$0x1] =	stream.indirect.gather [hbm4b:s3+s7], $0x20, s2, s7, $0xb8;
	[tilespmem:$0x1A400] =	vst v63  }
0x1c: {  	s0 =	simm.s32 $0x7400  }
0x1d: {  	[tilespmem:s0], [sflag:$0x1] =	stream.indirect.gather [hbm4b:s3+s7], $0x20, s7, s7, $0xb8;
	[tilespmem:$0x1A400] =	vst v63  }
0x1e: {  	s17 =	simm.s32 $0x100;
	s1 =	simm.s32 $0x8400  }
0x1f: {  	[tilespmem:s1], [sflag:$0x1] =	stream.indirect.gather [hbm4b:s3+s7], $0x20, s17, s7, $0xb8;
	[tilespmem:$0x1A400] =	vst v63  }
0x20: {  	s9 =	simm.s32 $0x180;
	s10 =	simm.s32 $0x9400  }
0x21: {  	[tilespmem:s10], [sflag:$0x1] =	stream.indirect.gather [hbm4b:s3+s7], $0x20, s9, s7, $0xb8;
	[tilespmem:$0x1A400] =	vst v63  }
0x22: {  	s11 =	simm.s32 $0x200;
	s12 =	simm.s32 $0xA400  }
0x23: {  	[tilespmem:s12], [sflag:$0x1] =	stream.indirect.gather [hbm4b:s3+s7], $0x20, s11, s7, $0xb8;
	[tilespmem:$0x1A400] =	vst v63  }
0x24: {  	s13 =	simm.s32 $0x280;
	s14 =	simm.s32 $0xB400  }
0x25: {  	[tilespmem:s14], [sflag:$0x1] =	stream.indirect.gather [hbm4b:s3+s7], $0x20, s13, s7, $0xb8;
	[tilespmem:$0x1A400] =	vst v63  }
0x26: {  	_ = 	snop  }
0x27: {  	[tilespmem:s19], [sflag:$0x1] =	stream.indirect.gather [hbm4b:s3+s7], $0x20, s18, s7, $0xb8;
	[tilespmem:$0x1A400] =	vst v63  }
0x28: {  	_ = 	snop  }
0x29: {  	[tilespmem:s21], [sflag:$0x1] =	stream.indirect.gather [hbm4b:s3+s7], $0x20, s20, s7, $0xb8;
	[tilespmem:$0x1A400] =	vst v63  }
0x2a: {  	p0 =	por $0x1, $0x1  }
0x2b: {  	[tilespmem:s23], [sflag:$0x1] =	stream.indirect.gather [hbm4b:s3+s7], $0x20, s22, s7, $0xb8;
	[tilespmem:$0x1A400] =	vst v63  }
0x2c: {  	s0 =	simm.s32 @!p0 $0x3  }
0x2d: {  	[tilespmem:s25], [sflag:$0x1] =	stream.indirect.gather [hbm4b:s3+s7], $0x20, s24, s7, $0xb8;
	[tilespmem:$0x1A400] =	vst v63  }
0x2e: {  	_ =	swait.ge @!p0 [sflag:s0], $0xA000  }
0x2f: {  	[sflag:s0] =	ssyncset.done @!p0 $0x0  }
0x30: {  	s15 =	simm.s32 $0x500;
	[sflag:s0] =	ssyncadd.s32 @!p0 $0xFFFF6000  }
0x31: {  	[tilespmem:s26], [sflag:$0x2] =	stream.indirect.gather [hbm4b:s3+s7], $0x20, s15, s7, $0xb8;
	[tilespmem:$0x1A400] =	vst v63  }
0x32: {  	s17 =	simm.s32 $0x580;
	s16 =	rddreg [dreg:$0x5]  }
0x33: {  	[tilespmem:s16], [sflag:$0x2] =	stream.indirect.gather [hbm4b:s3+s7], $0x20, s17, s7, $0xb8;
	[tilespmem:$0x1A400] =	vst v63  }
0x34: {  	s10 =	simm.s32 $0x600;
	s9 =	rddreg [dreg:$0x6]  }
0x35: {  	[tilespmem:s9], [sflag:$0x2] =	stream.indirect.gather [hbm4b:s3+s7], $0x20, s10, s7, $0xb8;
	[tilespmem:$0x1A400] =	vst v63  }
0x36: {  	s12 =	simm.s32 $0x680;
	s11 =	rddreg [dreg:$0x7]  }
0x37: {  	[tilespmem:s11], [sflag:$0x2] =	stream.indirect.gather [hbm4b:s3+s7], $0x20, s12, s7, $0xb8;
	[tilespmem:$0x1A400] =	vst v63  }
0x38: {  	s14 =	simm.s32 $0x700;
	s13 =	rddreg [dreg:$0x8]  }
0x39: {  	[tilespmem:s13], [sflag:$0x2] =	stream.indirect.gather [hbm4b:s3+s7], $0x20, s14, s7, $0xb8;
	[tilespmem:$0x1A400] =	vst v63  }
0x3a: {  	s15 =	rddreg [dreg:$0x9];
	s16 =	simm.s32 $0x780  }
0x3b: {  	[tilespmem:s15], [sflag:$0x2] =	stream.indirect.gather [hbm4b:s3+s7], $0x20, s16, s7, $0xb8;
	[tilespmem:$0x1A400] =	vst v63  }
0x3c: {  	s17 =	rddreg [dreg:$0xa];
	s10 =	simm.s32 $0x800  }
0x3d: {  	[tilespmem:s17], [sflag:$0x2] =	stream.indirect.gather [hbm4b:s3+s7], $0x20, s10, s7, $0xb8;
	[tilespmem:$0x1A400] =	vst v63  }
0x3e: {  	s11 =	rddreg [dreg:$0xb];
	s12 =	simm.s32 $0x880  }
0x3f: {  	[tilespmem:s11], [sflag:$0x2] =	stream.indirect.gather [hbm4b:s3+s7], $0x20, s12, s7, $0xb8;
	[tilespmem:$0x1A400] =	vst v63  }
0x40: {  	s13 =	rddreg [dreg:$0xc];
	s14 =	simm.s32 $0x900  }
0x41: {  	[tilespmem:s13], [sflag:$0x2] =	stream.indirect.gather [hbm4b:s3+s7], $0x20, s14, s7, $0xb8;
	[tilespmem:$0x1A400] =	vst v63  }
0x42: {  	s15 =	rddreg [dreg:$0xd];
	s16 =	simm.s32 $0x980  }
0x43: {  	[tilespmem:s15], [sflag:$0x2] =	stream.indirect.gather [hbm4b:s3+s7], $0x20, s16, s7, $0xb8;
	[tilespmem:$0x1A400] =	vst v63  }
0x44: {  	_ =	swait.ge [sflag:s28], $0x1000  }
0x45: {  	[sflag:s28] =	ssyncset.done $0x0  }
0x46: {  	[sflag:s28] =	ssyncadd.s32 $0xFFFFF000  }
0x47: {  	_ =	swait.ge [sflag:s28], $0x1000  }
0x48: {  	[sflag:s28] =	ssyncset.done $0x0  }
0x49: {  	[sflag:s28] =	ssyncadd.s32 $0xFFFFF000  }
0x4a: {  	_ =	swait.ge [sflag:s28], $0x1000  }
0x4b: {  	[sflag:s28] =	ssyncset.done $0x0  }
0x4c: {  	[sflag:s28] =	ssyncadd.s32 $0xFFFFF000  }
0x4d: {  	_ =	swait.ge [sflag:s28], $0x1000  }
0x4e: {  	[sflag:s28] =	ssyncset.done $0x0  }
0x4f: {  	[sflag:s28] =	ssyncadd.s32 $0xFFFFF000  }
0x50: {  	_ =	swait.ge [sflag:s28], $0x1000  }
0x51: {  	[sflag:s28] =	ssyncset.done $0x0  }
0x52: {  	[sflag:s28] =	ssyncadd.s32 $0xFFFFF000  }
0x53: {  	_ =	swait.ge [sflag:s28], $0x1000  }
0x54: {  	[sflag:s28] =	ssyncset.done $0x0  }
0x55: {  	[sflag:s28] =	ssyncadd.s32 $0xFFFFF000  }
0x56: {  	_ =	swait.ge [sflag:s28], $0x1000  }
0x57: {  	[sflag:s28] =	ssyncset.done $0x0  }
0x58: {  	[sflag:s28] =	ssyncadd.s32 $0xFFFFF000  }
0x59: {  	_ =	swait.ge [sflag:s28], $0x1000  }
0x5a: {  	[sflag:s28] =	ssyncset.done $0x0  }
0x5b: {  	[sflag:s28] =	ssyncadd.s32 $0xFFFFF000  }
0x5c: {  	_ =	swait.ge [sflag:s28], $0x1000  }
0x5d: {  	[sflag:s28] =	ssyncset.done $0x0  }
0x5e: {  	[sflag:s28] =	ssyncadd.s32 $0xFFFFF000  }
0x5f: {  	_ =	swait.ge [sflag:s28], $0x1000  }
0x60: {  	s17 =	rddreg [dreg:$0x3];
	[sflag:s28] =	ssyncset.done $0x0  }
0x61: {  	[sflag:s28] =	ssyncadd.s32 $0xFFFFF000;
	s0 =	sadd.s32 $0x0, s17  }
0x62: {  	[hbm4b:s0+s2] =	stream.linear.scatter [tilespmem:s8], [sflag:$0x3], $0xA000, $0x38;
	[tilespmem:$0x1A400] =	vst v63  }
0x63: {  	p0 =	por $0x0, $0x0;
	_ =	swait.ge [sflag:s29], $0xA000  }
0x64: {  	s1 =	simm.s32 @!p0 $0xA00;
	[sflag:s29] =	ssyncset.done $0x0  }
0x65: {  	s9 =	simm.s32 @!p0 $0x80;
	s0 =	simm.s32 @!p0 $0x6400;
	[sflag:s29] =	ssyncadd.s32 $0xFFFF6000  }
0x66: {  	[tilespmem:s0], [sflag:$0x1] =	stream.indirect.gather @!p0 [hbm4b:s3+s9], $0x20, s1, s9, $0xb8;
	[tilespmem:$0x1A400] =	vst v63  }
0x67: {  	s0 =	simm.s32 @!p0 $0xA80;
	s1 =	simm.s32 @!p0 $0x7400  }
0x68: {  	[tilespmem:s1], [sflag:$0x1] =	stream.indirect.gather @!p0 [hbm4b:s3+s9], $0x20, s0, s9, $0xb8;
	[tilespmem:$0x1A400] =	vst v63  }
0x69: {  	s0 =	simm.s32 @!p0 $0xB00;
	s1 =	simm.s32 @!p0 $0x8400  }
0x6a: {  	[tilespmem:s1], [sflag:$0x1] =	stream.indirect.gather @!p0 [hbm4b:s3+s9], $0x20, s0, s9, $0xb8;
	[tilespmem:$0x1A400] =	vst v63  }
0x6b: {  	s0 =	simm.s32 @!p0 $0xB80;
	s1 =	simm.s32 @!p0 $0x9400  }
0x6c: {  	[tilespmem:s1], [sflag:$0x1] =	stream.indirect.gather @!p0 [hbm4b:s3+s9], $0x20, s0, s9, $0xb8;
	[tilespmem:$0x1A400] =	vst v63  }
0x6d: {  	s0 =	simm.s32 @!p0 $0xC00;
	s1 =	simm.s32 @!p0 $0xA400  }
0x6e: {  	[tilespmem:s1], [sflag:$0x1] =	stream.indirect.gather @!p0 [hbm4b:s3+s9], $0x20, s0, s9, $0xb8;
	[tilespmem:$0x1A400] =	vst v63  }
0x6f: {  	s0 =	simm.s32 @!p0 $0xC80;
	s1 =	simm.s32 @!p0 $0xB400  }
0x70: {  	[tilespmem:s1], [sflag:$0x1] =	stream.indirect.gather @!p0 [hbm4b:s3+s9], $0x20, s0, s9, $0xb8;
	[tilespmem:$0x1A400] =	vst v63  }
0x71: {  	s0 =	simm.s32 @!p0 $0xD00;
	s1 =	simm.s32 @!p0 $0xC400  }
0x72: {  	[tilespmem:s1], [sflag:$0x1] =	stream.indirect.gather @!p0 [hbm4b:s3+s9], $0x20, s0, s9, $0xb8;
	[tilespmem:$0x1A400] =	vst v63  }
0x73: {  	s0 =	simm.s32 @!p0 $0xD80;
	s1 =	simm.s32 @!p0 $0xD400  }
0x74: {  	[tilespmem:s1], [sflag:$0x1] =	stream.indirect.gather @!p0 [hbm4b:s3+s9], $0x20, s0, s9, $0xb8;
	[tilespmem:$0x1A400] =	vst v63  }
0x75: {  	s0 =	simm.s32 @!p0 $0xE00;
	s1 =	simm.s32 @!p0 $0xE400  }
0x76: {  	[tilespmem:s1], [sflag:$0x1] =	stream.indirect.gather @!p0 [hbm4b:s3+s9], $0x20, s0, s9, $0xb8;
	[tilespmem:$0x1A400] =	vst v63  }
0x77: {  	s0 =	simm.s32 @!p0 $0xE80;
	s1 =	simm.s32 @!p0 $0xF400  }
0x78: {  	[tilespmem:s1], [sflag:$0x1] =	stream.indirect.gather @!p0 [hbm4b:s3+s9], $0x20, s0, s9, $0xb8;
	[tilespmem:$0x1A400] =	vst v63  }
0x79: {  	_ =	swait.ge [sflag:s30], $0x1000  }
0x7a: {  	[sflag:s30] =	ssyncset.done $0x0  }
0x7b: {  	[sflag:s30] =	ssyncadd.s32 $0xFFFFF000  }
0x7c: {  	_ =	swait.ge [sflag:s30], $0x1000  }
0x7d: {  	[sflag:s30] =	ssyncset.done $0x0  }
0x7e: {  	[sflag:s30] =	ssyncadd.s32 $0xFFFFF000  }
0x7f: {  	_ =	swait.ge [sflag:s30], $0x1000  }
0x80: {  	[sflag:s30] =	ssyncset.done $0x0  }
0x81: {  	[sflag:s30] =	ssyncadd.s32 $0xFFFFF000  }
0x82: {  	_ =	swait.ge [sflag:s30], $0x1000  }
0x83: {  	[sflag:s30] =	ssyncset.done $0x0  }
0x84: {  	[sflag:s30] =	ssyncadd.s32 $0xFFFFF000  }
0x85: {  	_ =	swait.ge [sflag:s30], $0x1000  }
0x86: {  	[sflag:s30] =	ssyncset.done $0x0  }
0x87: {  	[sflag:s30] =	ssyncadd.s32 $0xFFFFF000  }
0x88: {  	_ =	swait.ge [sflag:s30], $0x1000  }
0x89: {  	[sflag:s30] =	ssyncset.done $0x0  }
0x8a: {  	[sflag:s30] =	ssyncadd.s32 $0xFFFFF000  }
0x8b: {  	_ =	swait.ge [sflag:s30], $0x1000  }
0x8c: {  	[sflag:s30] =	ssyncset.done $0x0  }
0x8d: {  	[sflag:s30] =	ssyncadd.s32 $0xFFFFF000  }
0x8e: {  	_ =	swait.ge [sflag:s30], $0x1000  }
0x8f: {  	[sflag:s30] =	ssyncset.done $0x0  }
0x90: {  	[sflag:s30] =	ssyncadd.s32 $0xFFFFF000  }
0x91: {  	_ =	swait.ge [sflag:s30], $0x1000  }
0x92: {  	[sflag:s30] =	ssyncset.done $0x0  }
0x93: {  	[sflag:s30] =	ssyncadd.s32 $0xFFFFF000  }
0x94: {  	p1 =	por $0x0, $0x0;
	_ =	swait.ge [sflag:s30], $0x1000  }
0x95: {  	s1 =	simm.s32 $0x2800;
	s0 =	simm.s32 $0x5000;
	[sflag:s30] =	ssyncset.done $0x0  }
0x96: {  	s9 =	simm.s32 $0x0;
	s10 =	rddreg [dreg:$0x4];
	[sflag:s30] =	ssyncadd.s32 $0xFFFFF000  }
.LBB2_2:
0x97: {  	s11 =	simm.s32 @!p1 $0x3;
	s10 =	sadd.s32 s9, s10  }
0x98: {  	[hbm4b:s10+s2] =	stream.linear.scatter [tilespmem:s26], [sflag:$0x3], $0xA000, $0x38;
	[tilespmem:$0x1A400] =	vst v63  }
0x99: {  	s9 =	smov.u32 s1;
	_ =	swait.ge @!p1 [sflag:s11], $0xA000  }
0x9a: {  	s10 =	sshra.s32 s9, $0x2;
	[sflag:s11] =	ssyncset.done @!p1 $0x0  }
0x9b: {  	s14 =	sadd.s32 $0x500, s10;
	[sflag:s11] =	ssyncadd.s32 @!p1 $0xFFFF6000  }
0x9c: {  	[tilespmem:s26], [sflag:$0x2] =	stream.indirect.gather [hbm4b:s3+s7], $0x20, s14, s7, $0xb8;
	[tilespmem:$0x1A400] =	vst v63  }
0x9d: {  	s15 =	sadd.s32 $0x580, s10;
	s12 =	rddreg [dreg:$0x5]  }
0x9e: {  	[tilespmem:s12], [sflag:$0x2] =	stream.indirect.gather [hbm4b:s3+s7], $0x20, s15, s7, $0xb8;
	[tilespmem:$0x1A400] =	vst v63  }
0x9f: {  	s16 =	sadd.s32 $0x600, s10;
	s13 =	rddreg [dreg:$0x6]  }
0xa0: {  	[tilespmem:s13], [sflag:$0x2] =	stream.indirect.gather [hbm4b:s3+s7], $0x20, s16, s7, $0xb8;
	[tilespmem:$0x1A400] =	vst v63  }
0xa1: {  	s17 =	rddreg [dreg:$0x7];
	s14 =	sadd.s32 $0x680, s10  }
0xa2: {  	[tilespmem:s17], [sflag:$0x2] =	stream.indirect.gather [hbm4b:s3+s7], $0x20, s14, s7, $0xb8;
	[tilespmem:$0x1A400] =	vst v63  }
0xa3: {  	s15 =	rddreg [dreg:$0x8];
	s16 =	sadd.s32 $0x700, s10  }
0xa4: {  	[tilespmem:s15], [sflag:$0x2] =	stream.indirect.gather [hbm4b:s3+s7], $0x20, s16, s7, $0xb8;
	[tilespmem:$0x1A400] =	vst v63  }
0xa5: {  	s17 =	rddreg [dreg:$0x9];
	s14 =	sadd.s32 $0x780, s10  }
0xa6: {  	[tilespmem:s17], [sflag:$0x2] =	stream.indirect.gather [hbm4b:s3+s7], $0x20, s14, s7, $0xb8;
	[tilespmem:$0x1A400] =	vst v63  }
0xa7: {  	s15 =	rddreg [dreg:$0xa];
	s16 =	sadd.s32 $0x800, s10  }
0xa8: {  	[tilespmem:s15], [sflag:$0x2] =	stream.indirect.gather [hbm4b:s3+s7], $0x20, s16, s7, $0xb8;
	[tilespmem:$0x1A400] =	vst v63  }
0xa9: {  	s13 =	sadd.s32 $0x880, s10;
	s17 =	rddreg [dreg:$0xb]  }
0xaa: {  	[tilespmem:s17], [sflag:$0x2] =	stream.indirect.gather [hbm4b:s3+s7], $0x20, s13, s7, $0xb8;
	[tilespmem:$0x1A400] =	vst v63  }
0xab: {  	s14 =	rddreg [dreg:$0xc];
	s15 =	sadd.s32 $0x900, s10  }
0xac: {  	[tilespmem:s14], [sflag:$0x2] =	stream.indirect.gather [hbm4b:s3+s7], $0x20, s15, s7, $0xb8;
	[tilespmem:$0x1A400] =	vst v63  }
0xad: {  	s16 =	rddreg [dreg:$0xd];
	s10 =	sadd.s32 $0x980, s10  }
0xae: {  	[tilespmem:s16], [sflag:$0x2] =	stream.indirect.gather [hbm4b:s3+s7], $0x20, s10, s7, $0xb8;
	[tilespmem:$0x1A400] =	vst v63  }
0xaf: {  	_ =	swait.ge [sflag:s28], $0x1000  }
0xb0: {  	[sflag:s28] =	ssyncset.done $0x0  }
0xb1: {  	[sflag:s28] =	ssyncadd.s32 $0xFFFFF000  }
0xb2: {  	_ =	swait.ge [sflag:s28], $0x1000  }
0xb3: {  	[sflag:s28] =	ssyncset.done $0x0  }
0xb4: {  	[sflag:s28] =	ssyncadd.s32 $0xFFFFF000  }
0xb5: {  	_ =	swait.ge [sflag:s28], $0x1000  }
0xb6: {  	[sflag:s28] =	ssyncset.done $0x0  }
0xb7: {  	[sflag:s28] =	ssyncadd.s32 $0xFFFFF000  }
0xb8: {  	_ =	swait.ge [sflag:s28], $0x1000  }
0xb9: {  	[sflag:s28] =	ssyncset.done $0x0  }
0xba: {  	[sflag:s28] =	ssyncadd.s32 $0xFFFFF000  }
0xbb: {  	_ =	swait.ge [sflag:s28], $0x1000  }
0xbc: {  	[sflag:s28] =	ssyncset.done $0x0  }
0xbd: {  	[sflag:s28] =	ssyncadd.s32 $0xFFFFF000  }
0xbe: {  	_ =	swait.ge [sflag:s28], $0x1000  }
0xbf: {  	[sflag:s28] =	ssyncset.done $0x0  }
0xc0: {  	[sflag:s28] =	ssyncadd.s32 $0xFFFFF000  }
0xc1: {  	_ =	swait.ge [sflag:s28], $0x1000  }
0xc2: {  	[sflag:s28] =	ssyncset.done $0x0  }
0xc3: {  	[sflag:s28] =	ssyncadd.s32 $0xFFFFF000  }
0xc4: {  	_ =	swait.ge [sflag:s28], $0x1000  }
0xc5: {  	[sflag:s28] =	ssyncset.done $0x0  }
0xc6: {  	[sflag:s28] =	ssyncadd.s32 $0xFFFFF000  }
0xc7: {  	_ =	swait.ge [sflag:s28], $0x1000  }
0xc8: {  	[sflag:s28] =	ssyncset.done $0x0  }
0xc9: {  	[sflag:s28] =	ssyncadd.s32 $0xFFFFF000  }
0xca: {  	_ =	swait.ge [sflag:s28], $0x1000  }
0xcb: {  	s17 =	rddreg [dreg:$0x3];
	[sflag:s28] =	ssyncset.done $0x0  }
0xcc: {  	[sflag:s28] =	ssyncadd.s32 $0xFFFFF000;
	s10 =	sadd.s32 s9, s17  }
0xcd: {  	[hbm4b:s10+s2] =	stream.linear.scatter [tilespmem:s8], [sflag:$0x3], $0xA000, $0x38;
	[tilespmem:$0x1A400] =	vst v63  }
0xce: {  	p1 =	seq.s32 s9, $0x16800;
	_ =	swait.ge [sflag:s29], $0xA000  }
0xcf: {  	s11 =	simm.s32 @!p1 $0x6400;
	s10 =	sshra.s32 @!p1 s9, $0x2;
	[sflag:s29] =	ssyncset.done $0x0  }
0xd0: {  	s13 =	simm.s32 @!p1 $0x80;
	s12 =	sadd.s32 @!p1 $0xA00, s10;
	[sflag:s29] =	ssyncadd.s32 $0xFFFF6000  }
0xd1: {  	[tilespmem:s11], [sflag:$0x1] =	stream.indirect.gather @!p1 [hbm4b:s3+s13], $0x20, s12, s13, $0xb8;
	[tilespmem:$0x1A400] =	vst v63  }
0xd2: {  	s11 =	sadd.s32 @!p1 $0xA80, s10;
	s12 =	simm.s32 @!p1 $0x7400  }
0xd3: {  	[tilespmem:s12], [sflag:$0x1] =	stream.indirect.gather @!p1 [hbm4b:s3+s13], $0x20, s11, s13, $0xb8;
	[tilespmem:$0x1A400] =	vst v63  }
0xd4: {  	s14 =	sadd.s32 @!p1 $0xB00, s10;
	s11 =	simm.s32 @!p1 $0x8400  }
0xd5: {  	[tilespmem:s11], [sflag:$0x1] =	stream.indirect.gather @!p1 [hbm4b:s3+s13], $0x20, s14, s13, $0xb8;
	[tilespmem:$0x1A400] =	vst v63  }
0xd6: {  	s12 =	sadd.s32 @!p1 $0xB80, s10;
	s11 =	simm.s32 @!p1 $0x9400  }
0xd7: {  	[tilespmem:s11], [sflag:$0x1] =	stream.indirect.gather @!p1 [hbm4b:s3+s13], $0x20, s12, s13, $0xb8;
	[tilespmem:$0x1A400] =	vst v63  }
0xd8: {  	s15 =	sadd.s32 @!p1 $0xC00, s10;
	s11 =	simm.s32 @!p1 $0xA400  }
0xd9: {  	[tilespmem:s11], [sflag:$0x1] =	stream.indirect.gather @!p1 [hbm4b:s3+s13], $0x20, s15, s13, $0xb8;
	[tilespmem:$0x1A400] =	vst v63  }
0xda: {  	s14 =	sadd.s32 @!p1 $0xC80, s10;
	s11 =	simm.s32 @!p1 $0xB400  }
0xdb: {  	[tilespmem:s11], [sflag:$0x1] =	stream.indirect.gather @!p1 [hbm4b:s3+s13], $0x20, s14, s13, $0xb8;
	[tilespmem:$0x1A400] =	vst v63  }
0xdc: {  	s16 =	sadd.s32 @!p1 $0xD00, s10;
	s11 =	simm.s32 @!p1 $0xC400  }
0xdd: {  	[tilespmem:s11], [sflag:$0x1] =	stream.indirect.gather @!p1 [hbm4b:s3+s13], $0x20, s16, s13, $0xb8;
	[tilespmem:$0x1A400] =	vst v63  }
0xde: {  	s12 =	sadd.s32 @!p1 $0xD80, s10;
	s11 =	simm.s32 @!p1 $0xD400  }
0xdf: {  	[tilespmem:s11], [sflag:$0x1] =	stream.indirect.gather @!p1 [hbm4b:s3+s13], $0x20, s12, s13, $0xb8;
	[tilespmem:$0x1A400] =	vst v63  }
0xe0: {  	s17 =	sadd.s32 @!p1 $0xE00, s10;
	s11 =	simm.s32 @!p1 $0xE400  }
0xe1: {  	[tilespmem:s11], [sflag:$0x1] =	stream.indirect.gather @!p1 [hbm4b:s3+s13], $0x20, s17, s13, $0xb8;
	[tilespmem:$0x1A400] =	vst v63  }
0xe2: {  	s10 =	sadd.s32 @!p1 $0xE80, s10;
	s11 =	simm.s32 @!p1 $0xF400  }
0xe3: {  	[tilespmem:s11], [sflag:$0x1] =	stream.indirect.gather @!p1 [hbm4b:s3+s13], $0x20, s10, s13, $0xb8;
	[tilespmem:$0x1A400] =	vst v63  }
0xe4: {  	_ =	swait.ge [sflag:s30], $0x1000  }
0xe5: {  	[sflag:s30] =	ssyncset.done $0x0  }
0xe6: {  	[sflag:s30] =	ssyncadd.s32 $0xFFFFF000  }
0xe7: {  	_ =	swait.ge [sflag:s30], $0x1000  }
0xe8: {  	[sflag:s30] =	ssyncset.done $0x0  }
0xe9: {  	[sflag:s30] =	ssyncadd.s32 $0xFFFFF000  }
0xea: {  	_ =	swait.ge [sflag:s30], $0x1000  }
0xeb: {  	[sflag:s30] =	ssyncset.done $0x0  }
0xec: {  	[sflag:s30] =	ssyncadd.s32 $0xFFFFF000  }
0xed: {  	_ =	swait.ge [sflag:s30], $0x1000  }
0xee: {  	[sflag:s30] =	ssyncset.done $0x0  }
0xef: {  	[sflag:s30] =	ssyncadd.s32 $0xFFFFF000  }
0xf0: {  	_ =	swait.ge [sflag:s30], $0x1000  }
0xf1: {  	[sflag:s30] =	ssyncset.done $0x0  }
0xf2: {  	[sflag:s30] =	ssyncadd.s32 $0xFFFFF000  }
0xf3: {  	_ =	swait.ge [sflag:s30], $0x1000  }
0xf4: {  	[sflag:s30] =	ssyncset.done $0x0  }
0xf5: {  	[sflag:s30] =	ssyncadd.s32 $0xFFFFF000  }
0xf6: {  	_ =	swait.ge [sflag:s30], $0x1000  }
0xf7: {  	[sflag:s30] =	ssyncset.done $0x0  }
0xf8: {  	[sflag:s30] =	ssyncadd.s32 $0xFFFFF000  }
0xf9: {  	_ =	swait.ge [sflag:s30], $0x1000  }
0xfa: {  	[sflag:s30] =	ssyncset.done $0x0  }
0xfb: {  	s1 =	smov.u32 s0;
	s0 =	sadd.s32 $0x2800, s0;
	[sflag:s30] =	ssyncadd.s32 $0xFFFFF000  }
0xfc: {  	p0 =	sne.s32 s0, $0x19000;
	_ =	swait.ge [sflag:s30], $0x1000  }
.Ltmp0:
0xfd: {  	[sflag:s30] =	ssyncset.done $0x0;
	(pc) =	sbr.rel @p0 .LBB2_2-.Ltmp0, $4  }
0xfe: {  	[sflag:s30] =	ssyncadd.s32 $0xFFFFF000  }
0xff: {  	_ =	swait.ge [sflag:s30], $0x1000  }
0x100: {  	[sflag:s30] =	ssyncset.done $0x0  }
0x101: {  	p1 =	seq.s32 s1, $0x0;
	s10 =	rddreg [dreg:$0x4];
	[sflag:s30] =	ssyncadd.s32 $0xFFFFF000  }
0x102: {  	s0 =	simm.s32 @!p1 $0x3;
	s9 =	sadd.s32 s9, s10  }
0x103: {  	[hbm4b:s9+s2] =	stream.linear.scatter [tilespmem:s26], [sflag:$0x3], $0xA000, $0x38;
	[tilespmem:$0x1A400] =	vst v63  }
0x104: {  	_ =	swait.ge @!p1 [sflag:s0], $0xA000  }
0x105: {  	s9 =	sshra.s32 s1, $0x2;
	[sflag:s0] =	ssyncset.done @!p1 $0x0  }
0x106: {  	s11 =	sadd.s32 $0x500, s9;
	[sflag:s0] =	ssyncadd.s32 @!p1 $0xFFFF6000  }
0x107: {  	[tilespmem:s26], [sflag:$0x2] =	stream.indirect.gather [hbm4b:s3+s7], $0x20, s11, s7, $0xb8;
	[tilespmem:$0x1A400] =	vst v63  }
0x108: {  	s13 =	sadd.s32 $0x580, s9;
	s12 =	rddreg [dreg:$0x5]  }
0x109: {  	[tilespmem:s12], [sflag:$0x2] =	stream.indirect.gather [hbm4b:s3+s7], $0x20, s13, s7, $0xb8;
	[tilespmem:$0x1A400] =	vst v63  }
0x10a: {  	s14 =	sadd.s32 $0x600, s9;
	s11 =	rddreg [dreg:$0x6]  }
0x10b: {  	[tilespmem:s11], [sflag:$0x2] =	stream.indirect.gather [hbm4b:s3+s7], $0x20, s14, s7, $0xb8;
	[tilespmem:$0x1A400] =	vst v63  }
0x10c: {  	s16 =	sadd.s32 $0x680, s9;
	s15 =	rddreg [dreg:$0x7]  }
0x10d: {  	[tilespmem:s15], [sflag:$0x2] =	stream.indirect.gather [hbm4b:s3+s7], $0x20, s16, s7, $0xb8;
	[tilespmem:$0x1A400] =	vst v63  }
0x10e: {  	s17 =	rddreg [dreg:$0x8];
	s12 =	sadd.s32 $0x700, s9  }
0x10f: {  	[tilespmem:s17], [sflag:$0x2] =	stream.indirect.gather [hbm4b:s3+s7], $0x20, s12, s7, $0xb8;
	[tilespmem:$0x1A400] =	vst v63  }
0x110: {  	s13 =	rddreg [dreg:$0x9];
	s14 =	sadd.s32 $0x780, s9  }
0x111: {  	[tilespmem:s13], [sflag:$0x2] =	stream.indirect.gather [hbm4b:s3+s7], $0x20, s14, s7, $0xb8;
	[tilespmem:$0x1A400] =	vst v63  }
0x112: {  	s15 =	rddreg [dreg:$0xa];
	s16 =	sadd.s32 $0x800, s9  }
0x113: {  	[tilespmem:s15], [sflag:$0x2] =	stream.indirect.gather [hbm4b:s3+s7], $0x20, s16, s7, $0xb8;
	[tilespmem:$0x1A400] =	vst v63  }
0x114: {  	s11 =	sadd.s32 $0x880, s9;
	s17 =	rddreg [dreg:$0xb]  }
0x115: {  	[tilespmem:s17], [sflag:$0x2] =	stream.indirect.gather [hbm4b:s3+s7], $0x20, s11, s7, $0xb8;
	[tilespmem:$0x1A400] =	vst v63  }
0x116: {  	s12 =	rddreg [dreg:$0xc];
	s13 =	sadd.s32 $0x900, s9  }
0x117: {  	[tilespmem:s12], [sflag:$0x2] =	stream.indirect.gather [hbm4b:s3+s7], $0x20, s13, s7, $0xb8;
	[tilespmem:$0x1A400] =	vst v63  }
0x118: {  	s14 =	rddreg [dreg:$0xd];
	s15 =	sadd.s32 $0x980, s9  }
0x119: {  	[tilespmem:s14], [sflag:$0x2] =	stream.indirect.gather [hbm4b:s3+s7], $0x20, s15, s7, $0xb8;
	[tilespmem:$0x1A400] =	vst v63  }
0x11a: {  	_ =	swait.ge [sflag:s28], $0x1000  }
0x11b: {  	[sflag:s28] =	ssyncset.done $0x0  }
0x11c: {  	[sflag:s28] =	ssyncadd.s32 $0xFFFFF000  }
0x11d: {  	_ =	swait.ge [sflag:s28], $0x1000  }
0x11e: {  	[sflag:s28] =	ssyncset.done $0x0  }
0x11f: {  	[sflag:s28] =	ssyncadd.s32 $0xFFFFF000  }
0x120: {  	_ =	swait.ge [sflag:s28], $0x1000  }
0x121: {  	[sflag:s28] =	ssyncset.done $0x0  }
0x122: {  	[sflag:s28] =	ssyncadd.s32 $0xFFFFF000  }
0x123: {  	_ =	swait.ge [sflag:s28], $0x1000  }
0x124: {  	[sflag:s28] =	ssyncset.done $0x0  }
0x125: {  	[sflag:s28] =	ssyncadd.s32 $0xFFFFF000  }
0x126: {  	_ =	swait.ge [sflag:s28], $0x1000  }
0x127: {  	[sflag:s28] =	ssyncset.done $0x0  }
0x128: {  	[sflag:s28] =	ssyncadd.s32 $0xFFFFF000  }
0x129: {  	_ =	swait.ge [sflag:s28], $0x1000  }
0x12a: {  	[sflag:s28] =	ssyncset.done $0x0  }
0x12b: {  	[sflag:s28] =	ssyncadd.s32 $0xFFFFF000  }
0x12c: {  	_ =	swait.ge [sflag:s28], $0x1000  }
0x12d: {  	[sflag:s28] =	ssyncset.done $0x0  }
0x12e: {  	[sflag:s28] =	ssyncadd.s32 $0xFFFFF000  }
0x12f: {  	_ =	swait.ge [sflag:s28], $0x1000  }
0x130: {  	[sflag:s28] =	ssyncset.done $0x0  }
0x131: {  	[sflag:s28] =	ssyncadd.s32 $0xFFFFF000  }
0x132: {  	_ =	swait.ge [sflag:s28], $0x1000  }
0x133: {  	[sflag:s28] =	ssyncset.done $0x0  }
0x134: {  	[sflag:s28] =	ssyncadd.s32 $0xFFFFF000  }
0x135: {  	_ =	swait.ge [sflag:s28], $0x1000  }
0x136: {  	s16 =	rddreg [dreg:$0x3];
	[sflag:s28] =	ssyncset.done $0x0  }
0x137: {  	[sflag:s28] =	ssyncadd.s32 $0xFFFFF000;
	s0 =	sadd.s32 s1, s16  }
0x138: {  	[hbm4b:s0+s2] =	stream.linear.scatter [tilespmem:s8], [sflag:$0x3], $0xA000, $0x38;
	[tilespmem:$0x1A400] =	vst v63  }
0x139: {  	p0 =	seq.s32 s1, $0x16800;
	_ =	swait.ge [sflag:s29], $0xA000  }
0x13a: {  	s9 =	simm.s32 @!p0 $0x6400;
	s0 =	sshra.s32 @!p0 s1, $0x2;
	[sflag:s29] =	ssyncset.done $0x0  }
0x13b: {  	s11 =	simm.s32 @!p0 $0x80;
	s10 =	sadd.s32 @!p0 $0xA00, s0;
	[sflag:s29] =	ssyncadd.s32 $0xFFFF6000  }
0x13c: {  	[tilespmem:s9], [sflag:$0x1] =	stream.indirect.gather @!p0 [hbm4b:s3+s11], $0x20, s10, s11, $0xb8;
	[tilespmem:$0x1A400] =	vst v63  }
0x13d: {  	s9 =	sadd.s32 @!p0 $0xA80, s0;
	s10 =	simm.s32 @!p0 $0x7400  }
0x13e: {  	[tilespmem:s10], [sflag:$0x1] =	stream.indirect.gather @!p0 [hbm4b:s3+s11], $0x20, s9, s11, $0xb8;
	[tilespmem:$0x1A400] =	vst v63  }
0x13f: {  	s9 =	sadd.s32 @!p0 $0xB00, s0;
	s10 =	simm.s32 @!p0 $0x8400  }
0x140: {  	[tilespmem:s10], [sflag:$0x1] =	stream.indirect.gather @!p0 [hbm4b:s3+s11], $0x20, s9, s11, $0xb8;
	[tilespmem:$0x1A400] =	vst v63  }
0x141: {  	s9 =	sadd.s32 @!p0 $0xB80, s0;
	s10 =	simm.s32 @!p0 $0x9400  }
0x142: {  	[tilespmem:s10], [sflag:$0x1] =	stream.indirect.gather @!p0 [hbm4b:s3+s11], $0x20, s9, s11, $0xb8;
	[tilespmem:$0x1A400] =	vst v63  }
0x143: {  	s9 =	sadd.s32 @!p0 $0xC00, s0;
	s10 =	simm.s32 @!p0 $0xA400  }
0x144: {  	[tilespmem:s10], [sflag:$0x1] =	stream.indirect.gather @!p0 [hbm4b:s3+s11], $0x20, s9, s11, $0xb8;
	[tilespmem:$0x1A400] =	vst v63  }
0x145: {  	s9 =	sadd.s32 @!p0 $0xC80, s0;
	s10 =	simm.s32 @!p0 $0xB400  }
0x146: {  	[tilespmem:s10], [sflag:$0x1] =	stream.indirect.gather @!p0 [hbm4b:s3+s11], $0x20, s9, s11, $0xb8;
	[tilespmem:$0x1A400] =	vst v63  }
0x147: {  	s9 =	sadd.s32 @!p0 $0xD00, s0;
	s10 =	simm.s32 @!p0 $0xC400  }
0x148: {  	[tilespmem:s10], [sflag:$0x1] =	stream.indirect.gather @!p0 [hbm4b:s3+s11], $0x20, s9, s11, $0xb8;
	[tilespmem:$0x1A400] =	vst v63  }
0x149: {  	s9 =	sadd.s32 @!p0 $0xD80, s0;
	s10 =	simm.s32 @!p0 $0xD400  }
0x14a: {  	[tilespmem:s10], [sflag:$0x1] =	stream.indirect.gather @!p0 [hbm4b:s3+s11], $0x20, s9, s11, $0xb8;
	[tilespmem:$0x1A400] =	vst v63  }
0x14b: {  	s9 =	sadd.s32 @!p0 $0xE00, s0;
	s10 =	simm.s32 @!p0 $0xE400  }
0x14c: {  	[tilespmem:s10], [sflag:$0x1] =	stream.indirect.gather @!p0 [hbm4b:s3+s11], $0x20, s9, s11, $0xb8;
	[tilespmem:$0x1A400] =	vst v63  }
0x14d: {  	s0 =	sadd.s32 @!p0 $0xE80, s0;
	s9 =	simm.s32 @!p0 $0xF400  }
0x14e: {  	[tilespmem:s9], [sflag:$0x1] =	stream.indirect.gather @!p0 [hbm4b:s3+s11], $0x20, s0, s11, $0xb8;
	[tilespmem:$0x1A400] =	vst v63  }
0x14f: {  	_ =	swait.ge [sflag:s30], $0x1000  }
0x150: {  	[sflag:s30] =	ssyncset.done $0x0  }
0x151: {  	[sflag:s30] =	ssyncadd.s32 $0xFFFFF000  }
0x152: {  	_ =	swait.ge [sflag:s30], $0x1000  }
0x153: {  	[sflag:s30] =	ssyncset.done $0x0  }
0x154: {  	[sflag:s30] =	ssyncadd.s32 $0xFFFFF000  }
0x155: {  	_ =	swait.ge [sflag:s30], $0x1000  }
0x156: {  	[sflag:s30] =	ssyncset.done $0x0  }
0x157: {  	[sflag:s30] =	ssyncadd.s32 $0xFFFFF000  }
0x158: {  	_ =	swait.ge [sflag:s30], $0x1000  }
0x159: {  	[sflag:s30] =	ssyncset.done $0x0  }
0x15a: {  	[sflag:s30] =	ssyncadd.s32 $0xFFFFF000  }
0x15b: {  	_ =	swait.ge [sflag:s30], $0x1000  }
0x15c: {  	[sflag:s30] =	ssyncset.done $0x0  }
0x15d: {  	[sflag:s30] =	ssyncadd.s32 $0xFFFFF000  }
0x15e: {  	_ =	swait.ge [sflag:s30], $0x1000  }
0x15f: {  	[sflag:s30] =	ssyncset.done $0x0  }
0x160: {  	[sflag:s30] =	ssyncadd.s32 $0xFFFFF000  }
0x161: {  	_ =	swait.ge [sflag:s30], $0x1000  }
0x162: {  	[sflag:s30] =	ssyncset.done $0x0  }
0x163: {  	[sflag:s30] =	ssyncadd.s32 $0xFFFFF000  }
0x164: {  	_ =	swait.ge [sflag:s30], $0x1000  }
0x165: {  	[sflag:s30] =	ssyncset.done $0x0  }
0x166: {  	[sflag:s30] =	ssyncadd.s32 $0xFFFFF000  }
0x167: {  	_ =	swait.ge [sflag:s30], $0x1000  }
0x168: {  	[sflag:s30] =	ssyncset.done $0x0  }
0x169: {  	[sflag:s30] =	ssyncadd.s32 $0xFFFFF000  }
0x16a: {  	s31 =	sadd.s32 $0x1, s31;
	_ =	swait.ge [sflag:s30], $0x1000  }
0x16b: {  	p0 =	sne.s32 s31, s5;
	s17 =	rddreg [dreg:$0x4];
	[sflag:s30] =	ssyncset.done $0x0  }
.Ltmp1:
0x16c: {  	[sflag:s30] =	ssyncadd.s32 $0xFFFFF000;
	s0 =	sadd.s32 s1, s17;
	(pc) =	sbr.rel @p0 .LBB2_1-.Ltmp1, $4  }
0x16d: {  	[hbm4b:s0+s2] =	stream.linear.scatter [tilespmem:s26], [sflag:$0x3], $0xA000, $0x38;
	[tilespmem:$0x1A400] =	vst v63  }
0x16e: {  	_ =	swait.ge [sflag:s29], $0xA000  }
0x16f: {  	[sflag:s29] =	ssyncset.done $0x0  }
0x170: {  	[sflag:s29] =	ssyncadd.s32 $0xFFFF6000  }
0x171: {  	_ =	sfence.sel $0x180000  }
0x172: {  	[bflag:$0x0] =	sbarrier.arrive $0xFFFF  }
0x173: {  	_ =	strace $0x90000047  }
0x174: {  	s0 =	stileid.u32;
	[bflag:$0x2] =	sbarrier.arrive $0xFFFF  }
0x175: {  	p0 =	sne.s32 s0, $0x0;
	s0 =	rddreg [dreg:$0x2]  }
0x176: {  	s0 =	sadd.s32 @!p0 $0x100000, s0  }
0x177: {  	[sflag:s0] =	ssyncadd.tile.s32 @!p0 $0x1;
	_ =	shalt  }
.Lfunc_end2:
_tile_overlayer_lowered:
.L_overlay_start_2:
0x178: {  	(tag) =	ssettag $0x2  }
0x179: {  	s0 =	rddreg [dreg:$0x0];
	s2 =	stileid.u32  }
0x17a: {  	s1 =	rddreg [dreg:$0x1];
	p0 =	sne.s32 s2, $0x0  }
0x17b: {  	s3 =	rddreg [dreg:$0x2];
	[bflag:$0x3] =	sbarrier.arrive $0xFFFF;
	s2 =	simm.s32 @!p0 $0x1C04  }
0x17c: {  	[timem:s3], [sflag:s2] =	dma.local @!p0 [hbm:s0], s1  }
0x17d: {  	s0 =	simm.s32 @!p0 $0x4  }
0x17e: {  	_ =	swait.ge @!p0 [sflag:s0], s1  }
0x17f: {  	s1 =	ssub.s32 @!p0 $0x0, s1;
	[sflag:s0] =	ssyncset.done @!p0 $0x0  }
0x180: {  	[sflag:s0] =	ssyncadd.s32 @!p0 s1  }
0x181: {  	[bflag:$0x3] =	sbarrier.arrive $0xFFFF  }
0x182: {  	_ =	shalt  }

// kernel: sparse-core-data-format-call.1.cloned.1.call-start
scs
called_computation.1_lowered:
.L_overlay_start_0:
0x0: {  	s2 =	sld [smem:$0x3FD9]  }
0x1: {  	s3 =	sld [smem:$0x3FFE];
	_ =	sdelay $0x1  }
0x2: {  	s1 =	srdreg.scid  }
0x3: {  	s0 =	sand.u32 $0x1, s1  }
0x4: {  	s18 =	sshll.u32 s0, $0xA;
	s2 =	sadd.s32 s3, s2  }
0x5: {  	s2 =	sadd.s32 s2, s18  }
0x6: {  	[smem:$0x3FC6] =	sst s2  }
0x7: {  	_ = 	snop  }
0x8: {  	s2 =	sld [smem:$0x3FD0];
	(tm) =	ssettm $0x1  }
0x9: {  	s19 =	sld [smem:$0x3FFB];
	_ =	sdelay $0x3  }
0xa: {  	_ =	strace s19  }
0xb: {  	s3 =	sld [smem:$0x3FFC];
	_ =	sdelay $0x3  }
0xc: {  	_ =	strace s3  }
0xd: {  	s3 =	sld [smem:$0x3FFD];
	_ =	sdelay $0x3  }
0xe: {  	_ =	strace s3  }
0xf: {  	_ =	strace $0x8FFFFFFF  }
0x10: {  	s20 =	sld [smem:$0x3FDB];
	_ =	sdelay $0x1  }
0x11: {  	s4 =	simm.s32 $_scs_section_size  }
0x12: {  	s5 =	simm.s32 $_size__tile_overlayer_lowered;
	s6 =	simm.s32 $_tile_overlayer_lowered  }
0x13: {  	s23 =	simm.s32 $0x1BFF;
	s22 =	sshll.u32 s6, $0x1;
	s3 =	sadd.s32 s4, s20  }
0x14: {  	s7 =	simm.s32 $0x0;
	s21 =	sshll.u32 s5, $0x1;
	s5 =	sadd.s32 s22, s3  }
0x15: {  	[timem:s7], [sflag:s23] =	dma.local [hbm:s5], s21  }
0x16: {  	_ =	swait.ge [sflag:s23], s21  }
0x17: {  	s4 =	ssub.s32 $0x0, s21;
	[sflag:s23] =	ssyncset.done $0x0  }
0x18: {  	[sflag:s23] =	ssyncadd.s32 s4;
	_ =	sdelay $0x1  }
0x19: {  	s24 =	simm.s32 $0x1B8B  }
0x1a: {  	_ =	swait.ge [sflag:s24], $0x1  }
0x1b: {  	[sflag:s24] =	ssyncset.done $0x0  }
0x1c: {  	s26 =	simm.s32 $0x1B8E;
	s25 =	sld [smem:$0x3FFE];
	[sflag:s24] =	ssyncadd.s32 $0xFFFFFFFF  }
0x1d: {  	s27 =	simm.s32 $execute0_lowered;
	[smem:$0x3FD2] =	sst s26  }
0x1e: {  	s5 =	sshll.u32 s27, $0x1;
	_ =	strace $0x80000049;
	[dreg:$0x1] =	wrdreg $0xFFFFFFFF  }
0x1f: {  	s28 =	simm.s32 $_size_execute0_lowered;
	s3 =	sadd.s32 s3, s5;
	[dreg:$0x0] =	wrdreg $0x0  }
0x20: {  	s5 =	sshll.u32 s28, $0x1;
	[dreg:$0x2] =	wrdreg s3  }
0x21: {  	[dreg:$0x3] =	wrdreg s5  }
0x22: {  	[dreg:$0x4] =	wrdreg $0xC0  }
0x23: {  	_ =	task [dreg:s7], $0x5FFFF  }
0x24: {  	[dreg:$0x1] =	wrdreg $0xFFFFFFFF  }
0x25: {  	[dreg:$0x0] =	wrdreg $0x60  }
0x26: {  	[dreg:$0x2] =	wrdreg s25  }
0x27: {  	[dreg:$0x3] =	wrdreg s2  }
0x28: {  	[dreg:$0x4] =	wrdreg $0x9  }
0x29: {  	_ =	task.clear_ibuf [dreg:s7], $0x5FFFF;
	_ =	strace $0x90000049  }
0x2a: {  	s29 =	simm.s32 $0x9;
	_ =	strace $0x8000004B  }
0x2b: {  	_ =	swait.ge [sflag:s29], $0x1  }
0x2c: {  	[sflag:s29] =	ssyncadd.s32 $0xFFFFFFFF  }
0x2d: {  	_ =	strace $0x9000004B  }
0x2e: {  	_ =	sfence  }
0x2f: {  	s30 =	sld [smem:$0x0];
	_ =	sdelay $0x2  }
0x30: {  	s31 =	sshll.u32 s1, $0xD;
	s1 =	sshrl.u32 s1, $0x2  }
0x31: {  	s3 =	sand.u32 $0x4000, s31;
	s1 =	sadd.s32 s1, s30  }
0x32: {  	s0 =	sor.u32 s3, s0;
	s1 =	sshll.u32 s1, $0x11  }
0x33: {  	s0 =	sor.u32 s1, s0  }
0x34: {  	s0 =	sadd.s32 $0x8F2B, s0  }
0x35: {  	[sflag:s0] =	ssyncadd.remote.s32 $0x1  }
0x36: {  	_ =	sfence.sel $0xFFFF  }
0x37: {  	[dreg:$0x0] =	wrdreg $0xFFFFFFFF;
	(pc) =	sbr.abs _section_cstart, $3  }
0x38: {  	[dreg:$0x1] =	wrdreg $0xFFFFFFFF  }
0x39: {  	_ =	task.clear_ibuf [dreg:s7], $0x2FFFF;
	_ =	strace $0x9FFFFFFF  }
0x3a: {  	(tm) =	ssettm $0x7FFFFFFF  }
0x3b: {  	_ =	shalt  }
tec
execute0_lowered:
.L_overlay_start_1:
0x0: {  	(tag) =	ssettag $0x1  }
0x1: {  	s0 =	srdreg.scid  }
0x2: {  	s5 =	rddreg [dreg:$0x0];
	s1 =	sshll.u32 s0, $0x4  }
0x3: {  	s2 =	rddreg [dreg:$0x1];
	s0 =	stileid.u32;
	s1 =	sand.u32 $0x10, s1  }
0x4: {  	s4 =	simm.s32 $0x1;
	s8 =	simm.s32 $0x2;
	s1 =	sor.u32 s0, s1  }
0x5: {  	s12 =	simm.s32 $0x0;
	s9 =	simm.s32 $0xC8000;
	s3 =	sshll.u32 s1, $0x2  }
0x6: {  	s11 =	simm.s32 $0x0;
	s5 =	sadd.s32 $0xE00, s5;
	s6 =	ssub.s32 $0x1900, s3  }
.Ltmp0:
0x7: {  	s1 =	rddreg [dreg:$0x2];
	s7 =	sand.u32 $0x7C, s6;
	(pc) =	sbr.rel .LBB1_1-.Ltmp0, $4  }
0x8: {  	_ =	strace $0x8000004A;
	p0 =	sne.s32 s7, $0x0;
	s7 =	simm.s32 $0x1  }
0x9: {  	[sflag:s4] =	ssyncpa.u1 $0x0;
	s6 =	sshrl.u32 s6, $0x7;
	s7 =	simm.s32 @!p0 $0x0  }
0xa: {  	s10 =	smov.u32 s3;
	[sflag:s8] =	ssyncpa.u1 $0x0;
	s6 =	sadd.s32 s7, s6  }
0xb: {  	s8 =	simm.s32 $0x200;
	p0 =	por $0x0, $0x0;
	s7 =	sadd.s32 $0x1, s6  }
.LBB1_7:
0xc: {  	s14 =	sadd.s32 $0x80, s10  }
0xd: {  	p2 =	sgt.s32 s14, $0x18FF  }
0xe: {  	s14 =	smov.u32 @p2 s3;
	p2 =	sne.s32 s11, s7  }
.Ltmp1:
0xf: {  	p1 =	slt.u32 s11, $0x2;
	(pc) =	sbr.rel @!p2 .LBB1_8-.Ltmp1, $4  }
0x10: {  	s13 =	simm.s32 @!p1 $0x2  }
0x11: {  	s15 =	sadd.s32 $0x1, s11;
	_ =	swait.ge @!p1 [sflag:s13], $0x4000  }
0x12: {  	s12 =	smov.u32 s10;
	p0 =	por !p0, !p0;
	[sflag:s13] =	ssyncset.done @!p1 $0x0  }
0x13: {  	s11 =	smov.u32 s15;
	s10 =	smov.u32 s14;
	[sflag:s13] =	ssyncadd.s32 @!p1 $0xFFFFC000  }
.LBB1_1:
0x14: {  	p1 =	sge.u32 s11, s6  }
0x15: {  	s31 =	sadd.s32 $0xFFFFFFFF, s11;
	s13 =	sxor.u32 @!p1 $0xFFFFFFFF, s11  }
0x16: {  	s14 =	sshll.u32 @!p1 s10, $0xB;
	s15 =	simm.s32 @!p1 $0x20;
	s13 =	sshll.u32 @!p1 s13, $0xE  }
0x17: {  	s16 =	simm.s32 @!p1 $0x80;
	s14 =	sadd.s32 @!p1 s5, s14;
	s13 =	sand.u32 @!p1 $0x4000, s13  }
0x18: {  	[tilespmem:s13], [sflag:$0x1] =	stream.strided.gather @!p1 [hbm4b:s14+s15], $0x4000, s16, s15, $0x38;
	[tilespmem:$0x10100] =	vst v63  }
0x19: {  	p1 =	sge.u32 s31, s6  }
.Ltmp2:
0x1a: {  	_ = 	snop;
	(pc) =	sbr.rel @p1 .LBB1_7-.Ltmp2, $1  }
0x1b: {  	_ =	sdelay $0x3  }
0x1c: {  	s13 =	simm.s32 $0x1;
	s15 =	sand.u32 $0x1, s11  }
0x1d: {  	_ =	swait.ge [sflag:s4], $0x4000;
	s13 =	simm.s32 @!p0 $0x0;
	s16 =	smul.u32 $0x10200, s15  }
0x1e: {  	[sflag:s4] =	ssyncset.done $0x0;
	s14 =	smul.u32 $0x10200, s13  }
0x1f: {  	s13 =	sshll.u32 s13, $0xE;
	[sflag:s4] =	ssyncadd.s32 $0xFFFFC000  }
0x20: {  	s15 =	sor.u32 $0x10, s13;
	s31 =	sshrl.u32 s16, $0x2;
	s14 =	sshrl.u32 s14, $0x2  }
0x21: {  	s16 =	simm.s32 $0x0;
	s13 =	sor.u32 $0x8000, s31;
	s14 =	sor.u32 $0x8000, s14  }
.LBB1_3:
0x22: {  	v1 =	vld [tilespmem:s15+$0x0]  }
0x23: {  	v0 =	vld [tilespmem:s15+$0xFFFFFFF0];
	_ =	sdelay $0x2  }
0x24: {  	s19 =	sadd.s32 $0x0, s14  }
0x25: {  	s17 =	simm.s32 $0x4;
	s18 =	sadd.s32 $0x20, s15;
	[tilespmem:s19+$0x2040 ss:$0x204] =	vst.msk $0xffff, v1  }
.LBB1_4:
0x26: {  	v1 =	vld [tilespmem:s18+$0x0];
	p1 =	sne.s32 s17, $0x1FC;
	[tilespmem:s19+$0x0 ss:$0x204] =	vst.msk $0xffff, v0;
	s19 =	smov.u32 s17;
	s17 =	sadd.s32 $0x4, s17  }
.Ltmp3:
0x27: {  	v0 =	vld [tilespmem:s18+$0xFFFFFFF0];
	(pc) =	sbr.rel @p1 .LBB1_4-.Ltmp3, $4  }
0x28: {  	_ = 	snop  }
0x29: {  	s19 =	sshra.s32 s19, $0x2  }
0x2a: {  	s19 =	sadd.s32 s19, s14  }
0x2b: {  	s18 =	sadd.s32 $0x20, s18;
	[tilespmem:s19+$0x2040 ss:$0x204] =	vst.msk $0xffff, v1  }
0x2c: {  	s16 =	sadd.s32 $0x1, s16  }
0x2d: {  	p1 =	sne.s32 s16, $0x4  }
.Ltmp4:
0x2e: {  	_ = 	snop;
	(pc) =	sbr.rel @p1 .LBB1_3-.Ltmp4, $2  }
0x2f: {  	_ =	sdelay $0x2  }
0x30: {  	[tilespmem:s19+$0x0 ss:$0x204] =	vst.msk $0xffff, v0;
	s14 =	sadd.s32 $0x81, s14;
	s15 =	sadd.s32 $0x1000, s15  }
0x31: {  	s12 =	sand.u32 $0x1FFFFFF, s12  }
0x32: {  	s14 =	smulhi.u32 $0x147AE15, s12;
	_ =	sdelay $0x1  }
0x33: {  	s14 =	sshrl.u32 s14, $0x5  }
0x34: {  	s14 =	smul.u32 $0x1900, s14  }
.Ltmp5:
0x35: {  	_ = 	snop;
	(pc) =	sbr.rel .LBB1_7-.Ltmp5, $4  }
0x36: {  	s12 =	ssub.s32 s12, s14  }
0x37: {  	s12 =	sshll.u32 s12, $0x4  }
0x38: {  	s12 =	sadd.s32 s2, s12  }
0x39: {  	[hbm4b:s12+s8] =	stream.strided.scatter [tilespmem:s13], [sflag:$0x2], $0x4000, s9, s8, $0x20;
	[tilespmem:$0x10100] =	vst v63  }
.LBB1_8:
0x3a: {  	_ =	sfence.sel $0x180000  }
0x3b: {  	s2 =	simm.s32 $0x1;
	[bflag:$0x0] =	sbarrier.arrive $0xFFFF  }
0x3c: {  	s31 =	simm.s32 $0x2;
	[sflag:s2] =	ssyncpa.u1 $0x1  }
0x3d: {  	[sflag:s31] =	ssyncpa.u1 $0x1  }
0x3e: {  	p0 =	sne.s32 s0, $0x0;
	_ =	strace $0x9000004A  }
0x3f: {  	s0 =	sadd.s32 @!p0 $0x100000, s1;
	[bflag:$0x2] =	sbarrier.arrive $0xFFFF  }
0x40: {  	[sflag:s0] =	ssyncadd.tile.s32 @!p0 $0x1;
	_ =	shalt  }
.Lfunc_end1:
_tile_overlayer_lowered:
.L_overlay_start_2:
0x41: {  	(tag) =	ssettag $0x2  }
0x42: {  	s0 =	rddreg [dreg:$0x0];
	s2 =	stileid.u32  }
0x43: {  	s1 =	rddreg [dreg:$0x1];
	p0 =	sne.s32 s2, $0x0  }
0x44: {  	s3 =	rddreg [dreg:$0x2];
	[bflag:$0x3] =	sbarrier.arrive $0xFFFF;
	s2 =	simm.s32 @!p0 $0x1C01  }
0x45: {  	[timem:s3], [sflag:s2] =	dma.local @!p0 [hbm:s0], s1  }
0x46: {  	s0 =	simm.s32 @!p0 $0x1  }
0x47: {  	_ =	swait.ge @!p0 [sflag:s0], s1  }
0x48: {  	s1 =	ssub.s32 @!p0 $0x0, s1;
	[sflag:s0] =	ssyncset.done @!p0 $0x0  }
0x49: {  	[sflag:s0] =	ssyncadd.s32 @!p0 s1  }
0x4a: {  	[bflag:$0x3] =	sbarrier.arrive $0xFFFF  }
0x4b: {  	_ =	shalt  }

// kernel: sparse-core-data-format-call.cloned.1.call-start
scs
called_computation_lowered:
.L_overlay_start_0:
0x0: {  	s2 =	sld [smem:$0x3FD9]  }
0x1: {  	s3 =	sld [smem:$0x3FFE];
	_ =	sdelay $0x1  }
0x2: {  	s1 =	srdreg.scid  }
0x3: {  	s0 =	sand.u32 $0x1, s1  }
0x4: {  	s18 =	sshll.u32 s0, $0xA;
	s2 =	sadd.s32 s3, s2  }
0x5: {  	s2 =	sadd.s32 s2, s18  }
0x6: {  	[smem:$0x3FC6] =	sst s2  }
0x7: {  	_ = 	snop  }
0x8: {  	s2 =	sld [smem:$0x3FD0];
	(tm) =	ssettm $0x1  }
0x9: {  	s19 =	sld [smem:$0x3FFB];
	_ =	sdelay $0x3  }
0xa: {  	_ =	strace s19  }
0xb: {  	s3 =	sld [smem:$0x3FFC];
	_ =	sdelay $0x3  }
0xc: {  	_ =	strace s3  }
0xd: {  	s3 =	sld [smem:$0x3FFD];
	_ =	sdelay $0x3  }
0xe: {  	_ =	strace s3  }
0xf: {  	_ =	strace $0x8FFFFFFF  }
0x10: {  	s20 =	sld [smem:$0x3FDB];
	_ =	sdelay $0x1  }
0x11: {  	s4 =	simm.s32 $_scs_section_size  }
0x12: {  	s5 =	simm.s32 $_size__tile_overlayer_lowered;
	s6 =	simm.s32 $_tile_overlayer_lowered  }
0x13: {  	s23 =	simm.s32 $0x1BFF;
	s22 =	sshll.u32 s6, $0x1;
	s3 =	sadd.s32 s4, s20  }
0x14: {  	s7 =	simm.s32 $0x0;
	s21 =	sshll.u32 s5, $0x1;
	s5 =	sadd.s32 s22, s3  }
0x15: {  	[timem:s7], [sflag:s23] =	dma.local [hbm:s5], s21  }
0x16: {  	_ =	swait.ge [sflag:s23], s21  }
0x17: {  	s4 =	ssub.s32 $0x0, s21;
	[sflag:s23] =	ssyncset.done $0x0  }
0x18: {  	[sflag:s23] =	ssyncadd.s32 s4;
	_ =	sdelay $0x1  }
0x19: {  	s24 =	simm.s32 $0x1B8B  }
0x1a: {  	_ =	swait.ge [sflag:s24], $0x1  }
0x1b: {  	[sflag:s24] =	ssyncset.done $0x0  }
0x1c: {  	s26 =	simm.s32 $0x1B8E;
	s25 =	sld [smem:$0x3FFE];
	[sflag:s24] =	ssyncadd.s32 $0xFFFFFFFF  }
0x1d: {  	s27 =	simm.s32 $execute0_lowered;
	[smem:$0x3FD2] =	sst s26  }
0x1e: {  	s5 =	sshll.u32 s27, $0x1;
	_ =	strace $0x8000004C;
	[dreg:$0x1] =	wrdreg $0xFFFFFFFF  }
0x1f: {  	s28 =	simm.s32 $_size_execute0_lowered;
	s3 =	sadd.s32 s3, s5;
	[dreg:$0x0] =	wrdreg $0x0  }
0x20: {  	s5 =	sshll.u32 s28, $0x1;
	[dreg:$0x2] =	wrdreg s3  }
0x21: {  	[dreg:$0x3] =	wrdreg s5  }
0x22: {  	[dreg:$0x4] =	wrdreg $0xC0  }
0x23: {  	_ =	task [dreg:s7], $0x5FFFF  }
0x24: {  	[dreg:$0x1] =	wrdreg $0xFFFFFFFF  }
0x25: {  	[dreg:$0x0] =	wrdreg $0x60  }
0x26: {  	[dreg:$0x2] =	wrdreg s25  }
0x27: {  	[dreg:$0x3] =	wrdreg s2  }
0x28: {  	[dreg:$0x4] =	wrdreg $0x9  }
0x29: {  	_ =	task.clear_ibuf [dreg:s7], $0x5FFFF;
	_ =	strace $0x9000004C  }
0x2a: {  	s29 =	simm.s32 $0x9;
	_ =	strace $0x8000004E  }
0x2b: {  	_ =	swait.ge [sflag:s29], $0x1  }
0x2c: {  	[sflag:s29] =	ssyncadd.s32 $0xFFFFFFFF  }
0x2d: {  	_ =	strace $0x9000004E  }
0x2e: {  	_ =	sfence  }
0x2f: {  	s30 =	sld [smem:$0x0];
	_ =	sdelay $0x2  }
0x30: {  	s31 =	sshll.u32 s1, $0xD;
	s1 =	sshrl.u32 s1, $0x2  }
0x31: {  	s3 =	sand.u32 $0x4000, s31;
	s1 =	sadd.s32 s1, s30  }
0x32: {  	s0 =	sor.u32 s3, s0;
	s1 =	sshll.u32 s1, $0x11  }
0x33: {  	s0 =	sor.u32 s1, s0  }
0x34: {  	s0 =	sadd.s32 $0x8F2B, s0  }
0x35: {  	[sflag:s0] =	ssyncadd.remote.s32 $0x1  }
0x36: {  	_ =	sfence.sel $0xFFFF  }
0x37: {  	[dreg:$0x0] =	wrdreg $0xFFFFFFFF;
	(pc) =	sbr.abs _section_cstart, $3  }
0x38: {  	[dreg:$0x1] =	wrdreg $0xFFFFFFFF  }
0x39: {  	_ =	task.clear_ibuf [dreg:s7], $0x2FFFF;
	_ =	strace $0x9FFFFFFF  }
0x3a: {  	(tm) =	ssettm $0x7FFFFFFF  }
0x3b: {  	_ =	shalt  }
tec
execute0_lowered:
.L_overlay_start_1:
0x0: {  	(tag) =	ssettag $0x1  }
0x1: {  	s8 =	rddreg [dreg:$0x0]  }
0x2: {  	s2 =	rddreg [dreg:$0x1];
	s1 =	stileid.u32  }
0x3: {  	s4 =	srdreg.scid;
	s0 =	rddreg [dreg:$0x2];
	_ =	strace $0x8000004D  }
0x4: {  	s9 =	simm.s32 $0x1;
	s31 =	simm.s32 $0x2;
	s16 =	simm.s32 $0x0  }
0x5: {  	s17 =	simm.s32 $0x0;
	s11 =	simm.s32 $0x0;
	s12 =	simm.s32 $0x0  }
0x6: {  	s15 =	simm.s32 $0x0;
	s3 =	sshll.u32 s1, $0x1;
	s4 =	sshll.u32 s4, $0x7  }
0x7: {  	s4 =	sand.u32 $0x80, s4;
	s5 =	ssub.s32 $0x20, s3;
	s14 =	smov.u32 s3  }
0x8: {  	s6 =	sshrl.u32 s5, $0x5;
	s5 =	sand.u32 $0x1E, s5;
	s7 =	ssub.s32 $0x4000, s4  }
0x9: {  	p0 =	sne.s32 s5, $0x0;
	s30 =	sshrl.u32 s7, $0x7;
	s7 =	sshrl.u32 s7, $0x8  }
.Ltmp0:
0xa: {  	s9 =	simm.s32 @!p0 $0x0;
	s10 =	sand.u32 $0x1, s30;
	(pc) =	sbr.rel .LBB1_1-.Ltmp0, $4  }
0xb: {  	s5 =	simm.s32 $0x1;
	s6 =	sadd.s32 s9, s6;
	s7 =	sadd.s32 s7, s10  }
0xc: {  	s13 =	smov.u32 s4;
	[sflag:s5] =	ssyncpa.u1 $0x0;
	s6 =	smul.u32 s6, s7  }
0xd: {  	p0 =	por $0x0, $0x0;
	[sflag:s31] =	ssyncpa.u1 $0x0;
	s10 =	simm.s32 $0x80000  }
0xe: {  	s7 =	sadd.s32 $0xE00, s8;
	s8 =	sadd.s32 $0x40E00, s8;
	s9 =	sadd.s32 $0x1, s6  }
.LBB1_7:
0xf: {  	p1 =	slt.u32 s15, $0x2  }
0x10: {  	s19 =	smov.u32 s17;
	p2 =	sgt.s32 @!p1 s17, $0x1E;
	s18 =	sshra.s32 @!p1 s17, $0x1F  }
0x11: {  	p3 =	sgt.s32 @!p1 s16, $0x3F80;
	s20 =	sshra.s32 @!p1 s16, $0x1F;
	p2 =	por !p2, p1  }
0x12: {  	s17 =	sand.u32 @!p1 s18, s17;
	p3 =	por !p3, p1;
	s18 =	smov.u32 s16  }
0x13: {  	s16 =	sand.u32 @!p1 s20, s16;
	s19 =	simm.s32 @p2 $0x1E;
	s18 =	simm.s32 @p3 $0x3F80  }
0x14: {  	s20 =	smov.u32 s14;
	s17 =	ssub.s32 @!p1 s19, s17;
	s16 =	ssub.s32 @!p1 s18, s16  }
0x15: {  	s18 =	sadd.s32 @!p1 $0xFFFFFFE2, s17;
	s17 =	ssub.s32 @!p1 $0x20, s17;
	s19 =	sadd.s32 @!p1 $0xFFFFC080, s16  }
0x16: {  	p2 =	sgt.s32 @!p1 s18, $0x1;
	s17 =	smul.u32 @!p1 $0x32, s17;
	p3 =	sgt.s32 @!p1 s19, $0x7F  }
0x17: {  	s16 =	ssub.s32 @!p1 $0x4000, s16;
	p2 =	por !p2, p1;
	p3 =	por !p3, p1  }
0x18: {  	s18 =	sadd.s32 $0x100, s13;
	s17 =	simm.s32 @!p2 $0x0;
	s16 =	simm.s32 @!p3 $0x0  }
0x19: {  	p2 =	sgt.s32 s18, $0x3FFF;
	s16 =	smul.u32 @!p1 s16, s17;
	s17 =	sadd.s32 $0x20, s14  }
0x1a: {  	s20 =	smov.u32 @p2 s17  }
0x1b: {  	s18 =	smov.u32 @p2 s4;
	p2 =	sgt.s32 s20, $0x1F  }
0x1c: {  	s20 =	smov.u32 @p2 s3;
	p2 =	sne.s32 s15, s9  }
.Ltmp1:
0x1d: {  	p0 =	por !p0, !p0;
	s19 =	simm.s32 @!p1 $0x2;
	(pc) =	sbr.rel @!p2 .LBB1_8-.Ltmp1, $4  }
0x1e: {  	s17 =	smov.u32 s12;
	s12 =	smov.u32 s14;
	s16 =	sand.u32 @!p1 $0x3FFFFFFE, s16  }
0x1f: {  	_ =	swait.ge @!p1 [sflag:s19], s16;
	s21 =	ssub.s32 @!p1 $0x0, s16;
	s16 =	smov.u32 s11  }
0x20: {  	s15 =	sadd.s32 $0x1, s15;
	s11 =	smov.u32 s13;
	[sflag:s19] =	ssyncset.done @!p1 $0x0  }
0x21: {  	s13 =	smov.u32 s18;
	s14 =	smov.u32 s20;
	[sflag:s19] =	ssyncadd.s32 @!p1 s21  }
.LBB1_1:
0x22: {  	p1 =	sge.u32 s15, s6  }
0x23: {  	s18 =	sxor.u32 @!p1 $0xFFFFFFFF, s15;
	s19 =	sshll.u32 @!p1 s14, $0x12  }
0x24: {  	s20 =	sshll.u32 @!p1 s13, $0x4;
	s22 =	simm.s32 @!p1 $0x40;
	s23 =	simm.s32 @!p1 $0x80  }
0x25: {  	s18 =	sshll.u32 @!p1 s18, $0xE;
	s20 =	sand.u32 @!p1 $0x3FFF0, s20;
	s21 =	sadd.s32 @!p1 s7, s19  }
0x26: {  	s19 =	sadd.s32 @!p1 s19, s8;
	s18 =	sand.u32 @!p1 $0x4000, s18;
	s21 =	sadd.s32 @!p1 s20, s21  }
0x27: {  	[tilespmem:s18], [sflag:$0x1] =	stream.strided.gather @!p1 [hbm4b:s21+s22], $0x2000, s23, s22, $0x38;
	[tilespmem:$0x10100] =	vst v63  }
0x28: {  	s31 =	sadd.s32 $0xFFFFFFFF, s15;
	s19 =	sadd.s32 @!p1 s20, s19;
	s18 =	sor.u32 @!p1 $0x2000, s18  }
0x29: {  	[tilespmem:s18], [sflag:$0x1] =	stream.strided.gather @!p1 [hbm4b:s19+s22], $0x2000, s23, s22, $0x38;
	[tilespmem:$0x10100] =	vst v63  }
0x2a: {  	p1 =	sge.u32 s31, s6  }
.Ltmp2:
0x2b: {  	_ = 	snop;
	(pc) =	sbr.rel @p1 .LBB1_7-.Ltmp2, $1  }
0x2c: {  	_ =	sdelay $0x3  }
0x2d: {  	s18 =	simm.s32 $0x1;
	s20 =	sand.u32 $0x1, s15  }
0x2e: {  	_ =	swait.ge [sflag:s5], $0x4000;
	s18 =	simm.s32 @!p0 $0x0;
	s20 =	smul.u32 $0x10200, s20  }
0x2f: {  	p2 =	por $0x1, $0x1;
	[sflag:s5] =	ssyncset.done $0x0;
	s19 =	smul.u32 $0x10200, s18  }
0x30: {  	s21 =	sshll.u32 s18, $0x10;
	[sflag:s5] =	ssyncadd.s32 $0xFFFFC000;
	s30 =	sshrl.u32 s20, $0x2  }
0x31: {  	s31 =	sshrl.u32 s21, $0x2;
	s21 =	simm.s32 $0x0;
	s19 =	sshrl.u32 s19, $0x2  }
0x32: {  	s18 =	sor.u32 $0x8000, s30;
	s20 =	sadd.s32 $0x20, s31;
	s19 =	sor.u32 $0x8000, s19  }
.LBB1_3:
0x33: {  	s22 =	sshll.u32 s21, $0xD  }
0x34: {  	s22 =	sand.u32 $0x3FFFE000, s22  }
0x35: {  	s24 =	sadd.s32 s22, s20  }
0x36: {  	s31 =	smul.u32 $0x204, s21;
	v3 =	vld [tilespmem:s24+$0x10]  }
0x37: {  	v1 =	vld [tilespmem:s24+$0xFFFFFFF0]  }
0x38: {  	s21 =	sshra.s32 s31, $0x2;
	v0 =	vld [tilespmem:s24+$0x0]  }
0x39: {  	s21 =	sadd.s32 s21, s19;
	v2 =	vld [tilespmem:s24+$0xFFFFFFE0]  }
0x3a: {  	s22 =	sadd.s32 $0x0, s21  }
0x3b: {  	p1 =	por p2, p2;
	s23 =	simm.s32 $0x4;
	s24 =	sadd.s32 $0x40, s24;
	[tilespmem:s22+$0x3060 ss:$0x102] =	vst.msk $0xffff, v3  }
.LBB1_4:
0x3c: {  	v3 =	vld [tilespmem:s24+$0x10];
	p2 =	sne.s32 s23, $0x1FC;
	[tilespmem:s22+$0x1020 ss:$0x102] =	vst.msk $0xffff, v1;
	s25 =	smov.u32 s23;
	s23 =	sadd.s32 $0x4, s23  }
.Ltmp3:
0x3d: {  	v1 =	vld [tilespmem:s24+$0xFFFFFFF0];
	[tilespmem:s22+$0x2040 ss:$0x102] =	vst.msk $0xffff, v0;
	(pc) =	sbr.rel @p2 .LBB1_4-.Ltmp3, $4  }
0x3e: {  	v0 =	vld [tilespmem:s24+$0x0];
	[tilespmem:s22+$0x0 ss:$0x102] =	vst.msk $0xffff, v2  }
0x3f: {  	s22 =	sshra.s32 s25, $0x2;
	v2 =	vld [tilespmem:s24+$0xFFFFFFE0]  }
0x40: {  	s22 =	sadd.s32 s22, s21  }
0x41: {  	s24 =	sadd.s32 $0x40, s24;
	[tilespmem:s22+$0x3060 ss:$0x102] =	vst.msk $0xffff, v3  }
.Ltmp4:
0x42: {  	(pc) =	sbr.rel @p1 .LBB1_3-.Ltmp4, $4  }
0x43: {  	_ = 	snop  }
0x44: {  	[tilespmem:s22+$0x1020 ss:$0x102] =	vst.msk $0xffff, v1  }
0x45: {  	[tilespmem:s22+$0x2040 ss:$0x102] =	vst.msk $0xffff, v0  }
0x46: {  	s21 =	simm.s32 $0x1;
	p2 =	por $0x0, $0x0;
	[tilespmem:s22+$0x0 ss:$0x102] =	vst.msk $0xffff, v2  }
0x47: {  	s19 =	sand.u32 $0x78, s11;
	p1 =	sgt.s32 s12, $0x1E;
	s20 =	smov.u32 s12  }
0x48: {  	s21 =	sshra.s32 s12, $0x1F;
	s22 =	sshll.u32 s12, $0xE;
	s23 =	sshll.u32 s11, $0x3  }
0x49: {  	s30 =	sshra.s32 s11, $0x1F;
	s25 =	sshll.u32 s12, $0x7;
	s20 =	simm.s32 @!p1 $0x1E  }
0x4a: {  	s21 =	sand.u32 s21, s12;
	s22 =	sand.u32 $0x60000, s22;
	p1 =	sgt.s32 s11, $0x3F80  }
0x4b: {  	s25 =	sand.u32 $0x380, s25;
	s20 =	ssub.s32 s20, s21;
	s21 =	smov.u32 s11  }
0x4c: {  	s22 =	sadd.s32 s22, s23;
	s24 =	sadd.s32 $0xFFFFFFE2, s20;
	s21 =	simm.s32 @!p1 $0x3F80  }
0x4d: {  	s20 =	ssub.s32 $0x20, s20;
	p1 =	sgt.s32 s24, $0x1;
	s24 =	sand.u32 s30, s11  }
0x4e: {  	s23 =	sand.u32 $0x3C00, s23;
	s20 =	smul.u32 $0x32, s20;
	s21 =	ssub.s32 s21, s24  }
0x4f: {  	s19 =	sor.u32 s25, s19;
	s22 =	sand.u32 $0x7C000, s22;
	s24 =	sadd.s32 $0xFFFFC080, s21  }
0x50: {  	s20 =	simm.s32 @p1 $0x0;
	s21 =	ssub.s32 $0x4000, s21;
	p1 =	sgt.s32 s24, $0x7F  }
.Ltmp5:
0x51: {  	s19 =	sor.u32 s23, s19;
	s21 =	simm.s32 @p1 $0x0;
	(pc) =	sbr.rel .LBB1_7-.Ltmp5, $4  }
0x52: {  	s31 =	sand.u32 $0x7, s11;
	s19 =	sor.u32 s22, s19;
	s20 =	smul.u32 s21, s20  }
0x53: {  	s19 =	sshrl.u32 s19, $0x3;
	s21 =	sshll.u32 s31, $0x12  }
0x54: {  	s19 =	sadd.s32 s2, s19;
	s21 =	sor.u32 $0x100, s21;
	s20 =	sand.u32 $0x3FFFFFFE, s20  }
0x55: {  	[hbm4b:s19+s21] =	stream.strided.scatter [tilespmem:s18], [sflag:$0x2], s20, s10, s21, $0x20;
	[tilespmem:$0x10100] =	vst v63  }
.LBB1_8:
0x56: {  	_ =	sfence.sel $0x180000  }
0x57: {  	s2 =	simm.s32 $0x1;
	[bflag:$0x0] =	sbarrier.arrive $0xFFFF  }
0x58: {  	s31 =	simm.s32 $0x2;
	[sflag:s2] =	ssyncpa.u1 $0x1  }
0x59: {  	[sflag:s31] =	ssyncpa.u1 $0x1  }
0x5a: {  	p0 =	sne.s32 s1, $0x0;
	_ =	strace $0x9000004D  }
0x5b: {  	s0 =	sadd.s32 @!p0 $0x100000, s0;
	[bflag:$0x2] =	sbarrier.arrive $0xFFFF  }
0x5c: {  	[sflag:s0] =	ssyncadd.tile.s32 @!p0 $0x1;
	_ =	shalt  }
.Lfunc_end1:
_tile_overlayer_lowered:
.L_overlay_start_2:
0x5d: {  	(tag) =	ssettag $0x2  }
0x5e: {  	s0 =	rddreg [dreg:$0x0];
	s2 =	stileid.u32  }
0x5f: {  	s1 =	rddreg [dreg:$0x1];
	p0 =	sne.s32 s2, $0x0  }
0x60: {  	s3 =	rddreg [dreg:$0x2];
	[bflag:$0x3] =	sbarrier.arrive $0xFFFF;
	s2 =	simm.s32 @!p0 $0x1C01  }
0x61: {  	[timem:s3], [sflag:s2] =	dma.local @!p0 [hbm:s0], s1  }
0x62: {  	s0 =	simm.s32 @!p0 $0x1  }
0x63: {  	_ =	swait.ge @!p0 [sflag:s0], s1  }
0x64: {  	s1 =	ssub.s32 @!p0 $0x0, s1;
	[sflag:s0] =	ssyncset.done @!p0 $0x0  }
0x65: {  	[sflag:s0] =	ssyncadd.s32 @!p0 s1  }
0x66: {  	[bflag:$0x3] =	sbarrier.arrive $0xFFFF  }
0x67: {  	_ =	shalt  }

</sc_bundles>
